<compile_context>
chip_gen: v7x
topology: tpu7x:2x2x1
jax: 0.10.2.dev20260603
libtpu: 0.0.44.dev20260713+nightly
codegen_flags: <defaults>
</compile_context>

<pallas_src>
import functools

import jax
import jax.numpy as jnp
from jax import lax
from jax.experimental import pallas as pl
from jax.experimental.pallas import tpu as pltpu
from jax.experimental.pallas import tpu_sc as plsc

N = 10000
D = 128
E = 320000
OUT = 3

NC = 2
NS = 16
NW = NC * NS
EPT = E // NW
CHUNK = 80
NBUF = 2
NGRP = EPT // (CHUNK * NBUF)
NPAD = 10240
RPT = NPAD // NS

_mesh = plsc.VectorSubcoreMesh(
    core_axis_name="c", subcore_axis_name="s", num_cores=NC, num_subcores=NS
)


@functools.partial(
    pl.kernel,
    out_type=jax.ShapeDtypeStruct((NC, NPAD, D), jnp.float32),
    mesh=_mesh,
    scratch_types=[
        pltpu.VMEM((EPT,), jnp.int32),
        pltpu.VMEM((CHUNK, D), jnp.float32),
        pltpu.VMEM_SHARED((NPAD, D), jnp.float32),
        [pltpu.SemaphoreType.DMA] * 5,
    ],
)
def _deg_kernel(dst_hbm, ones_hbm, zeros_hbm, deg_out, dstv, ones_v, acc_sh,
                sems):
    c = lax.axis_index("c")
    s = lax.axis_index("s")
    wid = s * NC + c
    pltpu.sync_copy(ones_hbm, ones_v)
    pltpu.sync_copy(dst_hbm.at[pl.ds(wid * EPT, EPT)], dstv)
    pltpu.sync_copy(zeros_hbm, acc_sh.at[pl.ds(s * RPT, RPT)])
    plsc.subcore_barrier()

    def body(j, carry):
        descs = [
            pltpu.async_copy(
                ones_v,
                acc_sh.at[dstv.at[pl.ds((j * 5 + b) * CHUNK, CHUNK)]],
                sems[b], add=True,
            )
            for b in range(5)
        ]
        for d in descs:
            d.wait()
        return carry

    lax.fori_loop(0, EPT // (CHUNK * 5), body, 0)
    plsc.subcore_barrier()
    pltpu.sync_copy(
        acc_sh.at[pl.ds(s * RPT, RPT)], deg_out.at[c, pl.ds(s * RPT, RPT)]
    )


@functools.partial(
    pl.kernel,
    out_type=jax.ShapeDtypeStruct((NC, NPAD, D), jnp.float32),
    mesh=_mesh,
    scratch_types=[
        pltpu.VMEM((EPT,), jnp.int32),
        pltpu.VMEM((EPT,), jnp.int32),
        [pltpu.VMEM((CHUNK, D), jnp.float32)] * NBUF,
        pltpu.VMEM_SHARED((NPAD, D), jnp.float32),
        [pltpu.SemaphoreType.DMA] * NBUF,
        [pltpu.SemaphoreType.DMA] * NBUF,
    ],
)
def _prop_kernel(y_hbm, src_hbm, dst_hbm, zeros_hbm, z_out, srcv, dstv,
                 rows, acc_sh, sems, ssems):
    c = lax.axis_index("c")
    s = lax.axis_index("s")
    wid = s * NC + c
    pltpu.sync_copy(src_hbm.at[pl.ds(wid * EPT, EPT)], srcv)
    pltpu.sync_copy(dst_hbm.at[pl.ds(wid * EPT, EPT)], dstv)
    pltpu.sync_copy(zeros_hbm, acc_sh.at[pl.ds(s * RPT, RPT)])
    plsc.subcore_barrier()

    def body(j, carry):
        descs = []
        for b in range(NBUF):
            off = (j * NBUF + b) * CHUNK
            descs.append(
                pltpu.async_copy(
                    y_hbm.at[srcv.at[pl.ds(off, CHUNK)]], rows[b], sems[b]
                )
            )
        sdescs = []
        for b in range(NBUF):
            off = (j * NBUF + b) * CHUNK
            descs[b].wait()
            sdescs.append(
                pltpu.async_copy(
                    rows[b], acc_sh.at[dstv.at[pl.ds(off, CHUNK)]], ssems[b],
                    add=True,
                )
            )
        for d in sdescs:
            d.wait()
        return carry

    lax.fori_loop(0, NGRP, body, 0)
    for t in range(NGRP * NBUF, EPT // CHUNK):
        off = t * CHUNK
        pltpu.async_copy(
            y_hbm.at[srcv.at[pl.ds(off, CHUNK)]], rows[0], sems[0]
        ).wait()
        pltpu.sync_copy(rows[0], acc_sh.at[dstv.at[pl.ds(off, CHUNK)]],
                        add=True)
    plsc.subcore_barrier()
    pltpu.sync_copy(
        acc_sh.at[pl.ds(s * RPT, RPT)], z_out.at[c, pl.ds(s * RPT, RPT)]
    )


def _tc_in_body(feat_ref, w_ref, b_ref, degp_ref, y0_ref, dinv_ref):
    degp = degp_ref[...]
    deg = 1.0 + degp[0, :N, 0] + degp[1, :N, 0]
    dinv = lax.rsqrt(deg)[:, None]
    h = jnp.dot(feat_ref[...], w_ref[...].T, preferred_element_type=jnp.float32)
    h = h + b_ref[...][None, :]
    h = jnp.where(h >= 0, h, 0.01 * h)
    y0_ref[...] = dinv * h
    dinv_ref[...] = dinv


def _tc_mid_body(zp_ref, y_ref, dinv_ref, w_ref, b_ref, out_ref):
    dinv = dinv_ref[...]
    zp = zp_ref[...]
    prop = dinv * (zp[0, :N] + zp[1, :N] + y_ref[...])
    x = jnp.dot(prop, w_ref[...].T, preferred_element_type=jnp.float32)
    out_ref[...] = dinv * (x + b_ref[...][None, :])


def _tc_final_body(zp_ref, y_ref, dinv_ref, wg_ref, bg_ref, wo_ref, bo_ref,
                   out_ref):
    dinv = dinv_ref[...]
    zp = zp_ref[...]
    prop = dinv * (zp[0, :N] + zp[1, :N] + y_ref[...])
    x = jnp.dot(prop, wg_ref[...].T, preferred_element_type=jnp.float32)
    x = x + bg_ref[...][None, :]
    o = jnp.dot(x, wo_ref[...].T, preferred_element_type=jnp.float32)
    out_ref[...] = o + bo_ref[...][None, :]


def kernel(feature, edge_index, edge_type, W_in, b_in, Wg1, bg1, Wg2, bg2,
           W_out, b_out):
    del edge_type
    src = edge_index[0].astype(jnp.int32)
    dst = edge_index[1].astype(jnp.int32)
    zeros_d = jnp.zeros((RPT, D), jnp.float32)
    ones_w = jnp.ones((CHUNK, D), jnp.float32)

    degp = _deg_kernel(dst, ones_w, zeros_d)

    y0, dinv = pl.pallas_call(
        _tc_in_body,
        out_shape=[
            jax.ShapeDtypeStruct((N, D), jnp.float32),
            jax.ShapeDtypeStruct((N, 1), jnp.float32),
        ],
    )(feature, W_in, b_in, degp)

    zp1 = _prop_kernel(y0, src, dst, zeros_d)

    y1 = pl.pallas_call(
        _tc_mid_body,
        out_shape=jax.ShapeDtypeStruct((N, D), jnp.float32),
    )(zp1, y0, dinv, Wg1, bg1)

    zp2 = _prop_kernel(y1, src, dst, zeros_d)

    out = pl.pallas_call(
        _tc_final_body,
        out_shape=jax.ShapeDtypeStruct((N, OUT), jnp.float32),
    )(zp2, y1, dinv, Wg2, bg2, W_out, b_out)
    return out

# --- scband reference (transcript-rebuilt; emitter-appended) ---
"""Pipeline reference for scband-sgc-43533788512788 (READ-ONLY COPY).

The authoritative reference and input builder live on the scoring server;
editing this copy changes nothing except your own understanding.
"""

import jax, jax.numpy as jnp
import numpy as np

N = 10000
E = 320000
D = 128
H = 128
OUT = 3


def setup_inputs(seed: int = 0) -> dict:
    key = jax.random.key(seed)
    ks = jax.random.split(key, 12)
    feature = jax.random.normal(ks[0], (N, D), dtype=jnp.float32)
    edge_index = jax.random.randint(ks[1], (2, E), 0, N, dtype=jnp.int64)
    edge_type = jax.random.randint(ks[2], (E,), 0, 2, dtype=jnp.int64)
    s_in = 1.0 / np.sqrt(D)
    s_h = 1.0 / np.sqrt(H)
    W_in = jax.random.uniform(ks[3], (H, D), dtype=jnp.float32, minval=-s_in, maxval=s_in)
    b_in = jax.random.uniform(ks[4], (H,), dtype=jnp.float32, minval=-s_in, maxval=s_in)
    Wg1 = jax.random.uniform(ks[5], (H, H), dtype=jnp.float32, minval=-s_h, maxval=s_h)
    bg1 = jax.random.uniform(ks[6], (H,), dtype=jnp.float32, minval=-s_h, maxval=s_h)
    Wg2 = jax.random.uniform(ks[7], (H, H), dtype=jnp.float32, minval=-s_h, maxval=s_h)
    bg2 = jax.random.uniform(ks[8], (H,), dtype=jnp.float32, minval=-s_h, maxval=s_h)
    W_out = jax.random.uniform(ks[9], (OUT, H), dtype=jnp.float32, minval=-s_h, maxval=s_h)
    b_out = jax.random.uniform(ks[10], (OUT,), dtype=jnp.float32, minval=-s_h, maxval=s_h)
    return {"feature": feature, "edge_index": edge_index, "edge_type": edge_type,
            "W_in": W_in, "b_in": b_in, "Wg1": Wg1, "bg1": bg1,
            "Wg2": Wg2, "bg2": bg2, "W_out": W_out, "b_out": b_out}


def _sgconv(x, edge_index, W, b):
    # SGConv with K=1: gcn-normalized propagation (with self-loops) then linear
    n = x.shape[0]
    loops = jnp.arange(n, dtype=edge_index.dtype)
    src = jnp.concatenate([edge_index[0], loops])
    dst = jnp.concatenate([edge_index[1], loops])
    deg = jax.ops.segment_sum(jnp.ones(src.shape[0], dtype=x.dtype), dst, num_segments=n)
    dinv = jnp.where(deg > 0, 1.0 / jnp.sqrt(deg), 0.0)
    norm = dinv[src] * dinv[dst]
    msg = jnp.take(x, src, axis=0) * norm[:, None]
    out = jax.ops.segment_sum(msg, dst, num_segments=n)
    return out @ W.T + b


def _leaky_relu(x):
    return jnp.where(x >= 0, x, 0.01 * x)


def reference(feature, edge_index, edge_type, W_in, b_in, Wg1, bg1, Wg2, bg2, W_out, b_out):
    x = feature.astype(jnp.float32) @ W_in.T + b_in
    x = _leaky_relu(x)
    x = _sgconv(x, edge_index, Wg1, bg1)
    # dropout is identity in eval mode
    x = _sgconv(x, edge_index, Wg2, bg2)
    x = x @ W_out.T + b_out
    return x

if __name__ == "__main__":
    import jax
    _d = setup_inputs()
    print(jax.jit(kernel)(*tuple(_d.values())))

</pallas_src>

<mosaic_0001>
#map = affine_map<(d0, d1) -> (0)>
#map1 = affine_map<(d0, d1) -> (0, 0)>
#map2 = affine_map<(d0, d1) -> (0, 0, 0)>
module attributes {stable_mosaic.version = 14 : i64} {
  func.func @_deg_kernel(%arg0: i32, %arg1: i32, %arg2: memref<320000xi32, #tpu.memory_space<hbm>>, %arg3: memref<80x128xf32, #tpu.memory_space<hbm>>, %arg4: memref<640x128xf32, #tpu.memory_space<hbm>>, %arg5: memref<2x10240x128xf32, #tpu.memory_space<hbm>>, %arg6: memref<10000xi32, #tpu.memory_space<vmem>>, %arg7: memref<80x128xf32, #tpu.memory_space<vmem>>, %arg8: memref<10240x128xf32, #tpu.memory_space<vmem_shared>>, %arg9: memref<!tpu.dma_semaphore, #tpu.memory_space<semaphore_mem>>, %arg10: memref<!tpu.dma_semaphore, #tpu.memory_space<semaphore_mem>>, %arg11: memref<!tpu.dma_semaphore, #tpu.memory_space<semaphore_mem>>, %arg12: memref<!tpu.dma_semaphore, #tpu.memory_space<semaphore_mem>>, %arg13: memref<!tpu.dma_semaphore, #tpu.memory_space<semaphore_mem>>) attributes {dimension_semantics = [#tpu.dimension_semantics<core_parallel>, #tpu.dimension_semantics<subcore_parallel>], iteration_bounds = array<i64: 2, 16>, scalar_prefetch = 0 : i64, scratch_operands = 8 : i64, tpu.core_type = #tpu.core_type<sc_vector_subcore>, window_params = [{transform_indices = #map}, {transform_indices = #map1}, {transform_indices = #map1}, {transform_indices = #map2}]} {
    %mul3A = arith.constant 2 : i32
    %mul3A_0 = arith.muli %arg1, %mul3A : i32
    %add3A = arith.addi %mul3A_0, %arg0 : i32
    "tpu.region"() ({
      %run_scoped3A = tpu.sem_alloc : memref<!tpu.dma_semaphore, #tpu.memory_space<semaphore_mem>>
      tpu.enqueue_dma source(%arg3 : memref<80x128xf32, #tpu.memory_space<hbm>>) target(%arg7 : memref<80x128xf32, #tpu.memory_space<vmem>>) target_semaphore(%run_scoped3A : memref<!tpu.dma_semaphore, #tpu.memory_space<semaphore_mem>>)
      tpu.wait_dma2 semaphore(%run_scoped3A : memref<!tpu.dma_semaphore, #tpu.memory_space<semaphore_mem>>) src(%arg3 : memref<80x128xf32, #tpu.memory_space<hbm>>) dst(%arg7 : memref<80x128xf32, #tpu.memory_space<vmem>>)
      tpu.yield
    }) : () -> ()
    %mul3A_1 = arith.constant 10000 : i32
    %mul3A_2 = arith.muli %add3A, %mul3A_1 : i32
    "tpu.region"() ({
      %run_scoped3A = tpu.sem_alloc : memref<!tpu.dma_semaphore, #tpu.memory_space<semaphore_mem>>
      %dma_start3A = tpu.memref_slice %arg2[%mul3A_2] : memref<320000xi32, #tpu.memory_space<hbm>> -> memref<10000xi32, #tpu.memory_space<hbm>>
      %dma_start3A_15 = tpu.memref_slice %arg2[%mul3A_2] : memref<320000xi32, #tpu.memory_space<hbm>> -> memref<10000xi32, #tpu.memory_space<hbm>>
      tpu.enqueue_dma source(%dma_start3A_15 : memref<10000xi32, #tpu.memory_space<hbm>>) target(%arg6 : memref<10000xi32, #tpu.memory_space<vmem>>) target_semaphore(%run_scoped3A : memref<!tpu.dma_semaphore, #tpu.memory_space<semaphore_mem>>)
      %dma_wait3A = tpu.memref_slice %arg2[%mul3A_2] : memref<320000xi32, #tpu.memory_space<hbm>> -> memref<10000xi32, #tpu.memory_space<hbm>>
      %dma_wait3A_16 = tpu.memref_slice %arg2[%mul3A_2] : memref<320000xi32, #tpu.memory_space<hbm>> -> memref<10000xi32, #tpu.memory_space<hbm>>
      tpu.wait_dma2 semaphore(%run_scoped3A : memref<!tpu.dma_semaphore, #tpu.memory_space<semaphore_mem>>) src(%dma_wait3A_16 : memref<10000xi32, #tpu.memory_space<hbm>>) dst(%arg6 : memref<10000xi32, #tpu.memory_space<vmem>>)
      tpu.yield
    }) : () -> ()
    %mul3A_3 = arith.constant 640 : i32
    %mul3A_4 = arith.muli %arg1, %mul3A_3 : i32
    "tpu.region"() ({
      %run_scoped3A = tpu.sem_alloc : memref<!tpu.dma_semaphore, #tpu.memory_space<semaphore_mem>>
      %dma_start3A = arith.constant 0 : i32
      %dma_start3A_15 = tpu.memref_slice %arg8[%mul3A_4, %dma_start3A] : memref<10240x128xf32, #tpu.memory_space<vmem_shared>> -> memref<640x128xf32, #tpu.memory_space<vmem_shared>>
      tpu.enqueue_dma source(%arg4 : memref<640x128xf32, #tpu.memory_space<hbm>>) target(%dma_start3A_15 : memref<640x128xf32, #tpu.memory_space<vmem_shared>>) target_semaphore(%run_scoped3A : memref<!tpu.dma_semaphore, #tpu.memory_space<semaphore_mem>>)
      %dma_wait3A = arith.constant 0 : i32
      %dma_wait3A_16 = tpu.memref_slice %arg8[%mul3A_4, %dma_wait3A] : memref<10240x128xf32, #tpu.memory_space<vmem_shared>> -> memref<640x128xf32, #tpu.memory_space<vmem_shared>>
      tpu.wait_dma2 semaphore(%run_scoped3A : memref<!tpu.dma_semaphore, #tpu.memory_space<semaphore_mem>>) src(%arg4 : memref<640x128xf32, #tpu.memory_space<hbm>>) dst(%dma_wait3A_16 : memref<640x128xf32, #tpu.memory_space<vmem_shared>>)
      tpu.yield
    }) : () -> ()
    %barrier3A = arith.constant 0 : index
    tpu.barrier barrier_id(%barrier3A)
    %scan3A = arith.constant 0 : i32
    %scan3A_5 = arith.constant 0 : i32
    %scan3A_6 = arith.constant 25 : i32
    %scan3A_7 = arith.addi %scan3A_5, %scan3A_6 : i32
    %scan3A_8 = arith.constant 1 : i32
    scf.for %scan3A_15 = %scan3A_5 to %scan3A_7 step %scan3A_8  : i32 {
      %mul3A_16 = arith.constant 5 : i32
      %mul3A_17 = arith.muli %scan3A_15, %mul3A_16 : i32
      %add3A_18 = arith.constant 0 : i32
      %add3A_19 = arith.addi %mul3A_17, %add3A_18 : i32
      %mul3A_20 = arith.constant 80 : i32
      %mul3A_21 = arith.muli %add3A_19, %mul3A_20 : i32
      %dma_start3A = tpu.memref_slice %arg6[%mul3A_21] : memref<10000xi32, #tpu.memory_space<vmem>> -> memref<80xi32, #tpu.memory_space<vmem>>
      %dma_start3A_22 = arith.constant 0 : i32
      %dma_start3A_23 = arith.constant 0 : i32
      %dma_start3A_24 = tpu.memref_slice %arg8[%dma_start3A_22, %dma_start3A_23] : memref<10240x128xf32, #tpu.memory_space<vmem_shared>> -> memref<10240x128xf32, #tpu.memory_space<vmem_shared>>
      tpu.enqueue_indirect_dma source(%arg7 : memref<80x128xf32, #tpu.memory_space<vmem>>) target(%dma_start3A_24 : memref<10240x128xf32, #tpu.memory_space<vmem_shared>>) offsets(%dma_start3A : memref<80xi32, #tpu.memory_space<vmem>>) semaphore(%arg9 : memref<!tpu.dma_semaphore, #tpu.memory_space<semaphore_mem>>) {add = true}
      %mul3A_25 = arith.constant 5 : i32
      %mul3A_26 = arith.muli %scan3A_15, %mul3A_25 : i32
      %add3A_27 = arith.constant 1 : i32
      %add3A_28 = arith.addi %mul3A_26, %add3A_27 : i32
      %mul3A_29 = arith.constant 80 : i32
      %mul3A_30 = arith.muli %add3A_28, %mul3A_29 : i32
      %dma_start3A_31 = tpu.memref_slice %arg6[%mul3A_30] : memref<10000xi32, #tpu.memory_space<vmem>> -> memref<80xi32, #tpu.memory_space<vmem>>
      %dma_start3A_32 = arith.constant 0 : i32
      %dma_start3A_33 = arith.constant 0 : i32
      %dma_start3A_34 = tpu.memref_slice %arg8[%dma_start3A_32, %dma_start3A_33] : memref<10240x128xf32, #tpu.memory_space<vmem_shared>> -> memref<10240x128xf32, #tpu.memory_space<vmem_shared>>
      tpu.enqueue_indirect_dma source(%arg7 : memref<80x128xf32, #tpu.memory_space<vmem>>) target(%dma_start3A_34 : memref<10240x128xf32, #tpu.memory_space<vmem_shared>>) offsets(%dma_start3A_31 : memref<80xi32, #tpu.memory_space<vmem>>) semaphore(%arg10 : memref<!tpu.dma_semaphore, #tpu.memory_space<semaphore_mem>>) {add = true}
      %mul3A_35 = arith.constant 5 : i32
      %mul3A_36 = arith.muli %scan3A_15, %mul3A_35 : i32
      %add3A_37 = arith.constant 2 : i32
      %add3A_38 = arith.addi %mul3A_36, %add3A_37 : i32
      %mul3A_39 = arith.constant 80 : i32
      %mul3A_40 = arith.muli %add3A_38, %mul3A_39 : i32
      %dma_start3A_41 = tpu.memref_slice %arg6[%mul3A_40] : memref<10000xi32, #tpu.memory_space<vmem>> -> memref<80xi32, #tpu.memory_space<vmem>>
      %dma_start3A_42 = arith.constant 0 : i32
      %dma_start3A_43 = arith.constant 0 : i32
      %dma_start3A_44 = tpu.memref_slice %arg8[%dma_start3A_42, %dma_start3A_43] : memref<10240x128xf32, #tpu.memory_space<vmem_shared>> -> memref<10240x128xf32, #tpu.memory_space<vmem_shared>>
      tpu.enqueue_indirect_dma source(%arg7 : memref<80x128xf32, #tpu.memory_space<vmem>>) target(%dma_start3A_44 : memref<10240x128xf32, #tpu.memory_space<vmem_shared>>) offsets(%dma_start3A_41 : memref<80xi32, #tpu.memory_space<vmem>>) semaphore(%arg11 : memref<!tpu.dma_semaphore, #tpu.memory_space<semaphore_mem>>) {add = true}
      %mul3A_45 = arith.constant 5 : i32
      %mul3A_46 = arith.muli %scan3A_15, %mul3A_45 : i32
      %add3A_47 = arith.constant 3 : i32
      %add3A_48 = arith.addi %mul3A_46, %add3A_47 : i32
      %mul3A_49 = arith.constant 80 : i32
      %mul3A_50 = arith.muli %add3A_48, %mul3A_49 : i32
      %dma_start3A_51 = tpu.memref_slice %arg6[%mul3A_50] : memref<10000xi32, #tpu.memory_space<vmem>> -> memref<80xi32, #tpu.memory_space<vmem>>
      %dma_start3A_52 = arith.constant 0 : i32
      %dma_start3A_53 = arith.constant 0 : i32
      %dma_start3A_54 = tpu.memref_slice %arg8[%dma_start3A_52, %dma_start3A_53] : memref<10240x128xf32, #tpu.memory_space<vmem_shared>> -> memref<10240x128xf32, #tpu.memory_space<vmem_shared>>
      tpu.enqueue_indirect_dma source(%arg7 : memref<80x128xf32, #tpu.memory_space<vmem>>) target(%dma_start3A_54 : memref<10240x128xf32, #tpu.memory_space<vmem_shared>>) offsets(%dma_start3A_51 : memref<80xi32, #tpu.memory_space<vmem>>) semaphore(%arg12 : memref<!tpu.dma_semaphore, #tpu.memory_space<semaphore_mem>>) {add = true}
      %mul3A_55 = arith.constant 5 : i32
      %mul3A_56 = arith.muli %scan3A_15, %mul3A_55 : i32
      %add3A_57 = arith.constant 4 : i32
      %add3A_58 = arith.addi %mul3A_56, %add3A_57 : i32
      %mul3A_59 = arith.constant 80 : i32
      %mul3A_60 = arith.muli %add3A_58, %mul3A_59 : i32
      %dma_start3A_61 = tpu.memref_slice %arg6[%mul3A_60] : memref<10000xi32, #tpu.memory_space<vmem>> -> memref<80xi32, #tpu.memory_space<vmem>>
      %dma_start3A_62 = arith.constant 0 : i32
      %dma_start3A_63 = arith.constant 0 : i32
      %dma_start3A_64 = tpu.memref_slice %arg8[%dma_start3A_62, %dma_start3A_63] : memref<10240x128xf32, #tpu.memory_space<vmem_shared>> -> memref<10240x128xf32, #tpu.memory_space<vmem_shared>>
      tpu.enqueue_indirect_dma source(%arg7 : memref<80x128xf32, #tpu.memory_space<vmem>>) target(%dma_start3A_64 : memref<10240x128xf32, #tpu.memory_space<vmem_shared>>) offsets(%dma_start3A_61 : memref<80xi32, #tpu.memory_space<vmem>>) semaphore(%arg13 : memref<!tpu.dma_semaphore, #tpu.memory_space<semaphore_mem>>) {add = true}
      %dma_wait3A = tpu.memref_slice %arg6[%mul3A_21] : memref<10000xi32, #tpu.memory_space<vmem>> -> memref<80xi32, #tpu.memory_space<vmem>>
      %dma_wait3A_65 = arith.constant 0 : i32
      %dma_wait3A_66 = arith.constant 0 : i32
      %dma_wait3A_67 = tpu.memref_slice %arg8[%dma_wait3A_65, %dma_wait3A_66] : memref<10240x128xf32, #tpu.memory_space<vmem_shared>> -> memref<10240x128xf32, #tpu.memory_space<vmem_shared>>
      tpu.wait_indirect_dma semaphore(%arg9 : memref<!tpu.dma_semaphore, #tpu.memory_space<semaphore_mem>>) src(%arg7 : memref<80x128xf32, #tpu.memory_space<vmem>>) dst(%dma_wait3A_67 : memref<10240x128xf32, #tpu.memory_space<vmem_shared>>)
      %dma_wait3A_68 = tpu.memref_slice %arg6[%mul3A_30] : memref<10000xi32, #tpu.memory_space<vmem>> -> memref<80xi32, #tpu.memory_space<vmem>>
      %dma_wait3A_69 = arith.constant 0 : i32
      %dma_wait3A_70 = arith.constant 0 : i32
      %dma_wait3A_71 = tpu.memref_slice %arg8[%dma_wait3A_69, %dma_wait3A_70] : memref<10240x128xf32, #tpu.memory_space<vmem_shared>> -> memref<10240x128xf32, #tpu.memory_space<vmem_shared>>
      tpu.wait_indirect_dma semaphore(%arg10 : memref<!tpu.dma_semaphore, #tpu.memory_space<semaphore_mem>>) src(%arg7 : memref<80x128xf32, #tpu.memory_space<vmem>>) dst(%dma_wait3A_71 : memref<10240x128xf32, #tpu.memory_space<vmem_shared>>)
      %dma_wait3A_72 = tpu.memref_slice %arg6[%mul3A_40] : memref<10000xi32, #tpu.memory_space<vmem>> -> memref<80xi32, #tpu.memory_space<vmem>>
      %dma_wait3A_73 = arith.constant 0 : i32
      %dma_wait3A_74 = arith.constant 0 : i32
      %dma_wait3A_75 = tpu.memref_slice %arg8[%dma_wait3A_73, %dma_wait3A_74] : memref<10240x128xf32, #tpu.memory_space<vmem_shared>> -> memref<10240x128xf32, #tpu.memory_space<vmem_shared>>
      tpu.wait_indirect_dma semaphore(%arg11 : memref<!tpu.dma_semaphore, #tpu.memory_space<semaphore_mem>>) src(%arg7 : memref<80x128xf32, #tpu.memory_space<vmem>>) dst(%dma_wait3A_75 : memref<10240x128xf32, #tpu.memory_space<vmem_shared>>)
      %dma_wait3A_76 = tpu.memref_slice %arg6[%mul3A_50] : memref<10000xi32, #tpu.memory_space<vmem>> -> memref<80xi32, #tpu.memory_space<vmem>>
      %dma_wait3A_77 = arith.constant 0 : i32
      %dma_wait3A_78 = arith.constant 0 : i32
      %dma_wait3A_79 = tpu.memref_slice %arg8[%dma_wait3A_77, %dma_wait3A_78] : memref<10240x128xf32, #tpu.memory_space<vmem_shared>> -> memref<10240x128xf32, #tpu.memory_space<vmem_shared>>
      tpu.wait_indirect_dma semaphore(%arg12 : memref<!tpu.dma_semaphore, #tpu.memory_space<semaphore_mem>>) src(%arg7 : memref<80x128xf32, #tpu.memory_space<vmem>>) dst(%dma_wait3A_79 : memref<10240x128xf32, #tpu.memory_space<vmem_shared>>)
      %dma_wait3A_80 = tpu.memref_slice %arg6[%mul3A_60] : memref<10000xi32, #tpu.memory_space<vmem>> -> memref<80xi32, #tpu.memory_space<vmem>>
      %dma_wait3A_81 = arith.constant 0 : i32
      %dma_wait3A_82 = arith.constant 0 : i32
      %dma_wait3A_83 = tpu.memref_slice %arg8[%dma_wait3A_81, %dma_wait3A_82] : memref<10240x128xf32, #tpu.memory_space<vmem_shared>> -> memref<10240x128xf32, #tpu.memory_space<vmem_shared>>
      tpu.wait_indirect_dma semaphore(%arg13 : memref<!tpu.dma_semaphore, #tpu.memory_space<semaphore_mem>>) src(%arg7 : memref<80x128xf32, #tpu.memory_space<vmem>>) dst(%dma_wait3A_83 : memref<10240x128xf32, #tpu.memory_space<vmem_shared>>)
    }
    %scan3A_9 = arith.constant 25 : i32
    %barrier3A_10 = arith.constant 0 : index
    tpu.barrier barrier_id(%barrier3A_10)
    %mul3A_11 = arith.constant 640 : i32
    %mul3A_12 = arith.muli %arg1, %mul3A_11 : i32
    %mul3A_13 = arith.constant 640 : i32
    %mul3A_14 = arith.muli %arg1, %mul3A_13 : i32
    "tpu.region"() ({
      %run_scoped3A = tpu.sem_alloc : memref<!tpu.dma_semaphore, #tpu.memory_space<semaphore_mem>>
      %dma_start3A = arith.constant 0 : i32
      %dma_start3A_15 = tpu.memref_slice %arg5[%arg0, %mul3A_14, %dma_start3A] : memref<2x10240x128xf32, #tpu.memory_space<hbm>> -> memref<1x640x128xf32, #tpu.memory_space<hbm>>
      %dma_start3A_16 = tpu.memref_squeeze %dma_start3A_15 : memref<1x640x128xf32, #tpu.memory_space<hbm>> -> memref<640x128xf32, #tpu.memory_space<hbm>>
      %dma_start3A_17 = arith.constant 0 : i32
      %dma_start3A_18 = tpu.memref_slice %arg8[%mul3A_12, %dma_start3A_17] : memref<10240x128xf32, #tpu.memory_space<vmem_shared>> -> memref<640x128xf32, #tpu.memory_space<vmem_shared>>
      tpu.enqueue_dma source(%dma_start3A_18 : memref<640x128xf32, #tpu.memory_space<vmem_shared>>) target(%dma_start3A_16 : memref<640x128xf32, #tpu.memory_space<hbm>>) target_semaphore(%run_scoped3A : memref<!tpu.dma_semaphore, #tpu.memory_space<semaphore_mem>>)
      %dma_wait3A = arith.constant 0 : i32
      %dma_wait3A_19 = tpu.memref_slice %arg5[%arg0, %mul3A_14, %dma_wait3A] : memref<2x10240x128xf32, #tpu.memory_space<hbm>> -> memref<1x640x128xf32, #tpu.memory_space<hbm>>
      %dma_wait3A_20 = tpu.memref_squeeze %dma_wait3A_19 : memref<1x640x128xf32, #tpu.memory_space<hbm>> -> memref<640x128xf32, #tpu.memory_space<hbm>>
      %dma_wait3A_21 = arith.constant 0 : i32
      %dma_wait3A_22 = tpu.memref_slice %arg8[%mul3A_12, %dma_wait3A_21] : memref<10240x128xf32, #tpu.memory_space<vmem_shared>> -> memref<640x128xf32, #tpu.memory_space<vmem_shared>>
      tpu.wait_dma2 semaphore(%run_scoped3A : memref<!tpu.dma_semaphore, #tpu.memory_space<semaphore_mem>>) src(%dma_wait3A_22 : memref<640x128xf32, #tpu.memory_space<vmem_shared>>) dst(%dma_wait3A_20 : memref<640x128xf32, #tpu.memory_space<hbm>>)
      tpu.yield
    }) : () -> ()
    return
  }
}

#map = affine_map<(d0, d1) -> (0, 0)>
#map1 = affine_map<(d0, d1) -> (0)>
#map2 = affine_map<(d0, d1) -> (0, 0, 0)>
module attributes {stable_mosaic.version = 14 : i64} {
  func.func @_prop_kernel(%arg0: i32, %arg1: i32, %arg2: memref<10000x128xf32, #tpu.memory_space<hbm>>, %arg3: memref<320000xi32, #tpu.memory_space<hbm>>, %arg4: memref<320000xi32, #tpu.memory_space<hbm>>, %arg5: memref<640x128xf32, #tpu.memory_space<hbm>>, %arg6: memref<2x10240x128xf32, #tpu.memory_space<hbm>>, %arg7: memref<10000xi32, #tpu.memory_space<vmem>>, %arg8: memref<10000xi32, #tpu.memory_space<vmem>>, %arg9: memref<80x128xf32, #tpu.memory_space<vmem>>, %arg10: memref<80x128xf32, #tpu.memory_space<vmem>>, %arg11: memref<10240x128xf32, #tpu.memory_space<vmem_shared>>, %arg12: memref<!tpu.dma_semaphore, #tpu.memory_space<semaphore_mem>>, %arg13: memref<!tpu.dma_semaphore, #tpu.memory_space<semaphore_mem>>, %arg14: memref<!tpu.dma_semaphore, #tpu.memory_space<semaphore_mem>>, %arg15: memref<!tpu.dma_semaphore, #tpu.memory_space<semaphore_mem>>) attributes {dimension_semantics = [#tpu.dimension_semantics<core_parallel>, #tpu.dimension_semantics<subcore_parallel>], iteration_bounds = array<i64: 2, 16>, scalar_prefetch = 0 : i64, scratch_operands = 9 : i64, tpu.core_type = #tpu.core_type<sc_vector_subcore>, window_params = [{transform_indices = #map}, {transform_indices = #map1}, {transform_indices = #map1}, {transform_indices = #map}, {transform_indices = #map2}]} {
    %mul3A = arith.constant 2 : i32
    %mul3A_0 = arith.muli %arg1, %mul3A : i32
    %add3A = arith.addi %mul3A_0, %arg0 : i32
    %mul3A_1 = arith.constant 10000 : i32
    %mul3A_2 = arith.muli %add3A, %mul3A_1 : i32
    "tpu.region"() ({
      %run_scoped3A = tpu.sem_alloc : memref<!tpu.dma_semaphore, #tpu.memory_space<semaphore_mem>>
      %dma_start3A_25 = tpu.memref_slice %arg3[%mul3A_2] : memref<320000xi32, #tpu.memory_space<hbm>> -> memref<10000xi32, #tpu.memory_space<hbm>>
      %dma_start3A_26 = tpu.memref_slice %arg3[%mul3A_2] : memref<320000xi32, #tpu.memory_space<hbm>> -> memref<10000xi32, #tpu.memory_space<hbm>>
      tpu.enqueue_dma source(%dma_start3A_26 : memref<10000xi32, #tpu.memory_space<hbm>>) target(%arg7 : memref<10000xi32, #tpu.memory_space<vmem>>) target_semaphore(%run_scoped3A : memref<!tpu.dma_semaphore, #tpu.memory_space<semaphore_mem>>)
      %dma_wait3A_27 = tpu.memref_slice %arg3[%mul3A_2] : memref<320000xi32, #tpu.memory_space<hbm>> -> memref<10000xi32, #tpu.memory_space<hbm>>
      %dma_wait3A_28 = tpu.memref_slice %arg3[%mul3A_2] : memref<320000xi32, #tpu.memory_space<hbm>> -> memref<10000xi32, #tpu.memory_space<hbm>>
      tpu.wait_dma2 semaphore(%run_scoped3A : memref<!tpu.dma_semaphore, #tpu.memory_space<semaphore_mem>>) src(%dma_wait3A_28 : memref<10000xi32, #tpu.memory_space<hbm>>) dst(%arg7 : memref<10000xi32, #tpu.memory_space<vmem>>)
      tpu.yield
    }) : () -> ()
    %mul3A_3 = arith.constant 10000 : i32
    %mul3A_4 = arith.muli %add3A, %mul3A_3 : i32
    "tpu.region"() ({
      %run_scoped3A = tpu.sem_alloc : memref<!tpu.dma_semaphore, #tpu.memory_space<semaphore_mem>>
      %dma_start3A_25 = tpu.memref_slice %arg4[%mul3A_4] : memref<320000xi32, #tpu.memory_space<hbm>> -> memref<10000xi32, #tpu.memory_space<hbm>>
      %dma_start3A_26 = tpu.memref_slice %arg4[%mul3A_4] : memref<320000xi32, #tpu.memory_space<hbm>> -> memref<10000xi32, #tpu.memory_space<hbm>>
      tpu.enqueue_dma source(%dma_start3A_26 : memref<10000xi32, #tpu.memory_space<hbm>>) target(%arg8 : memref<10000xi32, #tpu.memory_space<vmem>>) target_semaphore(%run_scoped3A : memref<!tpu.dma_semaphore, #tpu.memory_space<semaphore_mem>>)
      %dma_wait3A_27 = tpu.memref_slice %arg4[%mul3A_4] : memref<320000xi32, #tpu.memory_space<hbm>> -> memref<10000xi32, #tpu.memory_space<hbm>>
      %dma_wait3A_28 = tpu.memref_slice %arg4[%mul3A_4] : memref<320000xi32, #tpu.memory_space<hbm>> -> memref<10000xi32, #tpu.memory_space<hbm>>
      tpu.wait_dma2 semaphore(%run_scoped3A : memref<!tpu.dma_semaphore, #tpu.memory_space<semaphore_mem>>) src(%dma_wait3A_28 : memref<10000xi32, #tpu.memory_space<hbm>>) dst(%arg8 : memref<10000xi32, #tpu.memory_space<vmem>>)
      tpu.yield
    }) : () -> ()
    %mul3A_5 = arith.constant 640 : i32
    %mul3A_6 = arith.muli %arg1, %mul3A_5 : i32
    "tpu.region"() ({
      %run_scoped3A = tpu.sem_alloc : memref<!tpu.dma_semaphore, #tpu.memory_space<semaphore_mem>>
      %dma_start3A_25 = arith.constant 0 : i32
      %dma_start3A_26 = tpu.memref_slice %arg11[%mul3A_6, %dma_start3A_25] : memref<10240x128xf32, #tpu.memory_space<vmem_shared>> -> memref<640x128xf32, #tpu.memory_space<vmem_shared>>
      tpu.enqueue_dma source(%arg5 : memref<640x128xf32, #tpu.memory_space<hbm>>) target(%dma_start3A_26 : memref<640x128xf32, #tpu.memory_space<vmem_shared>>) target_semaphore(%run_scoped3A : memref<!tpu.dma_semaphore, #tpu.memory_space<semaphore_mem>>)
      %dma_wait3A_27 = arith.constant 0 : i32
      %dma_wait3A_28 = tpu.memref_slice %arg11[%mul3A_6, %dma_wait3A_27] : memref<10240x128xf32, #tpu.memory_space<vmem_shared>> -> memref<640x128xf32, #tpu.memory_space<vmem_shared>>
      tpu.wait_dma2 semaphore(%run_scoped3A : memref<!tpu.dma_semaphore, #tpu.memory_space<semaphore_mem>>) src(%arg5 : memref<640x128xf32, #tpu.memory_space<hbm>>) dst(%dma_wait3A_28 : memref<640x128xf32, #tpu.memory_space<vmem_shared>>)
      tpu.yield
    }) : () -> ()
    %barrier3A = arith.constant 0 : index
    tpu.barrier barrier_id(%barrier3A)
    %scan3A = arith.constant 0 : i32
    %scan3A_7 = arith.constant 0 : i32
    %scan3A_8 = arith.constant 62 : i32
    %scan3A_9 = arith.addi %scan3A_7, %scan3A_8 : i32
    %scan3A_10 = arith.constant 1 : i32
    scf.for %scan3A_25 = %scan3A_7 to %scan3A_9 step %scan3A_10  : i32 {
      %mul3A_26 = arith.constant 2 : i32
      %mul3A_27 = arith.muli %scan3A_25, %mul3A_26 : i32
      %add3A_28 = arith.constant 0 : i32
      %add3A_29 = arith.addi %mul3A_27, %add3A_28 : i32
      %mul3A_30 = arith.constant 80 : i32
      %mul3A_31 = arith.muli %add3A_29, %mul3A_30 : i32
      %dma_start3A_32 = tpu.memref_slice %arg7[%mul3A_31] : memref<10000xi32, #tpu.memory_space<vmem>> -> memref<80xi32, #tpu.memory_space<vmem>>
      %dma_start3A_33 = arith.constant 0 : i32
      %dma_start3A_34 = arith.constant 0 : i32
      %dma_start3A_35 = tpu.memref_slice %arg2[%dma_start3A_33, %dma_start3A_34] : memref<10000x128xf32, #tpu.memory_space<hbm>> -> memref<10000x128xf32, #tpu.memory_space<hbm>>
      tpu.enqueue_indirect_dma source(%dma_start3A_35 : memref<10000x128xf32, #tpu.memory_space<hbm>>) target(%arg9 : memref<80x128xf32, #tpu.memory_space<vmem>>) offsets(%dma_start3A_32 : memref<80xi32, #tpu.memory_space<vmem>>) semaphore(%arg12 : memref<!tpu.dma_semaphore, #tpu.memory_space<semaphore_mem>>)
      %mul3A_36 = arith.constant 2 : i32
      %mul3A_37 = arith.muli %scan3A_25, %mul3A_36 : i32
      %add3A_38 = arith.constant 1 : i32
      %add3A_39 = arith.addi %mul3A_37, %add3A_38 : i32
      %mul3A_40 = arith.constant 80 : i32
      %mul3A_41 = arith.muli %add3A_39, %mul3A_40 : i32
      %dma_start3A_42 = tpu.memref_slice %arg7[%mul3A_41] : memref<10000xi32, #tpu.memory_space<vmem>> -> memref<80xi32, #tpu.memory_space<vmem>>
      %dma_start3A_43 = arith.constant 0 : i32
      %dma_start3A_44 = arith.constant 0 : i32
      %dma_start3A_45 = tpu.memref_slice %arg2[%dma_start3A_43, %dma_start3A_44] : memref<10000x128xf32, #tpu.memory_space<hbm>> -> memref<10000x128xf32, #tpu.memory_space<hbm>>
      tpu.enqueue_indirect_dma source(%dma_start3A_45 : memref<10000x128xf32, #tpu.memory_space<hbm>>) target(%arg10 : memref<80x128xf32, #tpu.memory_space<vmem>>) offsets(%dma_start3A_42 : memref<80xi32, #tpu.memory_space<vmem>>) semaphore(%arg13 : memref<!tpu.dma_semaphore, #tpu.memory_space<semaphore_mem>>)
      %mul3A_46 = arith.constant 2 : i32
      %mul3A_47 = arith.muli %scan3A_25, %mul3A_46 : i32
      %add3A_48 = arith.constant 0 : i32
      %add3A_49 = arith.addi %mul3A_47, %add3A_48 : i32
      %mul3A_50 = arith.constant 80 : i32
      %mul3A_51 = arith.muli %add3A_49, %mul3A_50 : i32
      %dma_wait3A_52 = tpu.memref_slice %arg7[%mul3A_31] : memref<10000xi32, #tpu.memory_space<vmem>> -> memref<80xi32, #tpu.memory_space<vmem>>
      %dma_wait3A_53 = arith.constant 0 : i32
      %dma_wait3A_54 = arith.constant 0 : i32
      %dma_wait3A_55 = tpu.memref_slice %arg2[%dma_wait3A_53, %dma_wait3A_54] : memref<10000x128xf32, #tpu.memory_space<hbm>> -> memref<10000x128xf32, #tpu.memory_space<hbm>>
      tpu.wait_indirect_dma semaphore(%arg12 : memref<!tpu.dma_semaphore, #tpu.memory_space<semaphore_mem>>) src(%dma_wait3A_55 : memref<10000x128xf32, #tpu.memory_space<hbm>>) dst(%arg9 : memref<80x128xf32, #tpu.memory_space<vmem>>)
      %dma_start3A_56 = tpu.memref_slice %arg8[%mul3A_51] : memref<10000xi32, #tpu.memory_space<vmem>> -> memref<80xi32, #tpu.memory_space<vmem>>
      %dma_start3A_57 = arith.constant 0 : i32
      %dma_start3A_58 = arith.constant 0 : i32
      %dma_start3A_59 = tpu.memref_slice %arg11[%dma_start3A_57, %dma_start3A_58] : memref<10240x128xf32, #tpu.memory_space<vmem_shared>> -> memref<10240x128xf32, #tpu.memory_space<vmem_shared>>
      tpu.enqueue_indirect_dma source(%arg9 : memref<80x128xf32, #tpu.memory_space<vmem>>) target(%dma_start3A_59 : memref<10240x128xf32, #tpu.memory_space<vmem_shared>>) offsets(%dma_start3A_56 : memref<80xi32, #tpu.memory_space<vmem>>) semaphore(%arg14 : memref<!tpu.dma_semaphore, #tpu.memory_space<semaphore_mem>>) {add = true}
      %mul3A_60 = arith.constant 2 : i32
      %mul3A_61 = arith.muli %scan3A_25, %mul3A_60 : i32
      %add3A_62 = arith.constant 1 : i32
      %add3A_63 = arith.addi %mul3A_61, %add3A_62 : i32
      %mul3A_64 = arith.constant 80 : i32
      %mul3A_65 = arith.muli %add3A_63, %mul3A_64 : i32
      %dma_wait3A_66 = tpu.memref_slice %arg7[%mul3A_41] : memref<10000xi32, #tpu.memory_space<vmem>> -> memref<80xi32, #tpu.memory_space<vmem>>
      %dma_wait3A_67 = arith.constant 0 : i32
      %dma_wait3A_68 = arith.constant 0 : i32
      %dma_wait3A_69 = tpu.memref_slice %arg2[%dma_wait3A_67, %dma_wait3A_68] : memref<10000x128xf32, #tpu.memory_space<hbm>> -> memref<10000x128xf32, #tpu.memory_space<hbm>>
      tpu.wait_indirect_dma semaphore(%arg13 : memref<!tpu.dma_semaphore, #tpu.memory_space<semaphore_mem>>) src(%dma_wait3A_69 : memref<10000x128xf32, #tpu.memory_space<hbm>>) dst(%arg10 : memref<80x128xf32, #tpu.memory_space<vmem>>)
      %dma_start3A_70 = tpu.memref_slice %arg8[%mul3A_65] : memref<10000xi32, #tpu.memory_space<vmem>> -> memref<80xi32, #tpu.memory_space<vmem>>
      %dma_start3A_71 = arith.constant 0 : i32
      %dma_start3A_72 = arith.constant 0 : i32
      %dma_start3A_73 = tpu.memref_slice %arg11[%dma_start3A_71, %dma_start3A_72] : memref<10240x128xf32, #tpu.memory_space<vmem_shared>> -> memref<10240x128xf32, #tpu.memory_space<vmem_shared>>
      tpu.enqueue_indirect_dma source(%arg10 : memref<80x128xf32, #tpu.memory_space<vmem>>) target(%dma_start3A_73 : memref<10240x128xf32, #tpu.memory_space<vmem_shared>>) offsets(%dma_start3A_70 : memref<80xi32, #tpu.memory_space<vmem>>) semaphore(%arg15 : memref<!tpu.dma_semaphore, #tpu.memory_space<semaphore_mem>>) {add = true}
      %dma_wait3A_74 = tpu.memref_slice %arg8[%mul3A_51] : memref<10000xi32, #tpu.memory_space<vmem>> -> memref<80xi32, #tpu.memory_space<vmem>>
      %dma_wait3A_75 = arith.constant 0 : i32
      %dma_wait3A_76 = arith.constant 0 : i32
      %dma_wait3A_77 = tpu.memref_slice %arg11[%dma_wait3A_75, %dma_wait3A_76] : memref<10240x128xf32, #tpu.memory_space<vmem_shared>> -> memref<10240x128xf32, #tpu.memory_space<vmem_shared>>
      tpu.wait_indirect_dma semaphore(%arg14 : memref<!tpu.dma_semaphore, #tpu.memory_space<semaphore_mem>>) src(%arg9 : memref<80x128xf32, #tpu.memory_space<vmem>>) dst(%dma_wait3A_77 : memref<10240x128xf32, #tpu.memory_space<vmem_shared>>)
      %dma_wait3A_78 = tpu.memref_slice %arg8[%mul3A_65] : memref<10000xi32, #tpu.memory_space<vmem>> -> memref<80xi32, #tpu.memory_space<vmem>>
      %dma_wait3A_79 = arith.constant 0 : i32
      %dma_wait3A_80 = arith.constant 0 : i32
      %dma_wait3A_81 = tpu.memref_slice %arg11[%dma_wait3A_79, %dma_wait3A_80] : memref<10240x128xf32, #tpu.memory_space<vmem_shared>> -> memref<10240x128xf32, #tpu.memory_space<vmem_shared>>
      tpu.wait_indirect_dma semaphore(%arg15 : memref<!tpu.dma_semaphore, #tpu.memory_space<semaphore_mem>>) src(%arg10 : memref<80x128xf32, #tpu.memory_space<vmem>>) dst(%dma_wait3A_81 : memref<10240x128xf32, #tpu.memory_space<vmem_shared>>)
    }
    %scan3A_11 = arith.constant 62 : i32
    %dma_start3A = arith.constant 9920 : i32
    %dma_start3A_12 = tpu.memref_slice %arg7[%dma_start3A] : memref<10000xi32, #tpu.memory_space<vmem>> -> memref<80xi32, #tpu.memory_space<vmem>>
    %dma_start3A_13 = arith.constant 0 : i32
    %dma_start3A_14 = arith.constant 0 : i32
    %dma_start3A_15 = tpu.memref_slice %arg2[%dma_start3A_13, %dma_start3A_14] : memref<10000x128xf32, #tpu.memory_space<hbm>> -> memref<10000x128xf32, #tpu.memory_space<hbm>>
    tpu.enqueue_indirect_dma source(%dma_start3A_15 : memref<10000x128xf32, #tpu.memory_space<hbm>>) target(%arg9 : memref<80x128xf32, #tpu.memory_space<vmem>>) offsets(%dma_start3A_12 : memref<80xi32, #tpu.memory_space<vmem>>) semaphore(%arg12 : memref<!tpu.dma_semaphore, #tpu.memory_space<semaphore_mem>>)
    %dma_wait3A = arith.constant 9920 : i32
    %dma_wait3A_16 = tpu.memref_slice %arg7[%dma_wait3A] : memref<10000xi32, #tpu.memory_space<vmem>> -> memref<80xi32, #tpu.memory_space<vmem>>
    %dma_wait3A_17 = arith.constant 0 : i32
    %dma_wait3A_18 = arith.constant 0 : i32
    %dma_wait3A_19 = tpu.memref_slice %arg2[%dma_wait3A_17, %dma_wait3A_18] : memref<10000x128xf32, #tpu.memory_space<hbm>> -> memref<10000x128xf32, #tpu.memory_space<hbm>>
    tpu.wait_indirect_dma semaphore(%arg12 : memref<!tpu.dma_semaphore, #tpu.memory_space<semaphore_mem>>) src(%dma_wait3A_19 : memref<10000x128xf32, #tpu.memory_space<hbm>>) dst(%arg9 : memref<80x128xf32, #tpu.memory_space<vmem>>)
    "tpu.region"() ({
      %run_scoped3A = tpu.sem_alloc : memref<!tpu.dma_semaphore, #tpu.memory_space<semaphore_mem>>
      %dma_start3A_25 = arith.constant 9920 : i32
      %dma_start3A_26 = tpu.memref_slice %arg8[%dma_start3A_25] : memref<10000xi32, #tpu.memory_space<vmem>> -> memref<80xi32, #tpu.memory_space<vmem>>
      %dma_start3A_27 = arith.constant 0 : i32
      %dma_start3A_28 = arith.constant 0 : i32
      %dma_start3A_29 = tpu.memref_slice %arg11[%dma_start3A_27, %dma_start3A_28] : memref<10240x128xf32, #tpu.memory_space<vmem_shared>> -> memref<10240x128xf32, #tpu.memory_space<vmem_shared>>
      tpu.enqueue_indirect_dma source(%arg9 : memref<80x128xf32, #tpu.memory_space<vmem>>) target(%dma_start3A_29 : memref<10240x128xf32, #tpu.memory_space<vmem_shared>>) offsets(%dma_start3A_26 : memref<80xi32, #tpu.memory_space<vmem>>) semaphore(%run_scoped3A : memref<!tpu.dma_semaphore, #tpu.memory_space<semaphore_mem>>) {add = true}
      %dma_wait3A_30 = arith.constant 9920 : i32
      %dma_wait3A_31 = tpu.memref_slice %arg8[%dma_wait3A_30] : memref<10000xi32, #tpu.memory_space<vmem>> -> memref<80xi32, #tpu.memory_space<vmem>>
      %dma_wait3A_32 = arith.constant 0 : i32
      %dma_wait3A_33 = arith.constant 0 : i32
      %dma_wait3A_34 = tpu.memref_slice %arg11[%dma_wait3A_32, %dma_wait3A_33] : memref<10240x128xf32, #tpu.memory_space<vmem_shared>> -> memref<10240x128xf32, #tpu.memory_space<vmem_shared>>
      tpu.wait_indirect_dma semaphore(%run_scoped3A : memref<!tpu.dma_semaphore, #tpu.memory_space<semaphore_mem>>) src(%arg9 : memref<80x128xf32, #tpu.memory_space<vmem>>) dst(%dma_wait3A_34 : memref<10240x128xf32, #tpu.memory_space<vmem_shared>>)
      tpu.yield
    }) : () -> ()
    %barrier3A_20 = arith.constant 0 : index
    tpu.barrier barrier_id(%barrier3A_20)
    %mul3A_21 = arith.constant 640 : i32
    %mul3A_22 = arith.muli %arg1, %mul3A_21 : i32
    %mul3A_23 = arith.constant 640 : i32
    %mul3A_24 = arith.muli %arg1, %mul3A_23 : i32
    "tpu.region"() ({
      %run_scoped3A = tpu.sem_alloc : memref<!tpu.dma_semaphore, #tpu.memory_space<semaphore_mem>>
      %dma_start3A_25 = arith.constant 0 : i32
      %dma_start3A_26 = tpu.memref_slice %arg6[%arg0, %mul3A_24, %dma_start3A_25] : memref<2x10240x128xf32, #tpu.memory_space<hbm>> -> memref<1x640x128xf32, #tpu.memory_space<hbm>>
      %dma_start3A_27 = tpu.memref_squeeze %dma_start3A_26 : memref<1x640x128xf32, #tpu.memory_space<hbm>> -> memref<640x128xf32, #tpu.memory_space<hbm>>
      %dma_start3A_28 = arith.constant 0 : i32
      %dma_start3A_29 = tpu.memref_slice %arg11[%mul3A_22, %dma_start3A_28] : memref<10240x128xf32, #tpu.memory_space<vmem_shared>> -> memref<640x128xf32, #tpu.memory_space<vmem_shared>>
      tpu.enqueue_dma source(%dma_start3A_29 : memref<640x128xf32, #tpu.memory_space<vmem_shared>>) target(%dma_start3A_27 : memref<640x128xf32, #tpu.memory_space<hbm>>) target_semaphore(%run_scoped3A : memref<!tpu.dma_semaphore, #tpu.memory_space<semaphore_mem>>)
      %dma_wait3A_30 = arith.constant 0 : i32
      %dma_wait3A_31 = tpu.memref_slice %arg6[%arg0, %mul3A_24, %dma_wait3A_30] : memref<2x10240x128xf32, #tpu.memory_space<hbm>> -> memref<1x640x128xf32, #tpu.memory_space<hbm>>
      %dma_wait3A_32 = tpu.memref_squeeze %dma_wait3A_31 : memref<1x640x128xf32, #tpu.memory_space<hbm>> -> memref<640x128xf32, #tpu.memory_space<hbm>>
      %dma_wait3A_33 = arith.constant 0 : i32
      %dma_wait3A_34 = tpu.memref_slice %arg11[%mul3A_22, %dma_wait3A_33] : memref<10240x128xf32, #tpu.memory_space<vmem_shared>> -> memref<640x128xf32, #tpu.memory_space<vmem_shared>>
      tpu.wait_dma2 semaphore(%run_scoped3A : memref<!tpu.dma_semaphore, #tpu.memory_space<semaphore_mem>>) src(%dma_wait3A_34 : memref<640x128xf32, #tpu.memory_space<vmem_shared>>) dst(%dma_wait3A_32 : memref<640x128xf32, #tpu.memory_space<hbm>>)
      tpu.yield
    }) : () -> ()
    return
  }
}

#map = affine_map<(d0, d1) -> (0, 0)>
#map1 = affine_map<(d0, d1) -> (0)>
#map2 = affine_map<(d0, d1) -> (0, 0, 0)>
module attributes {stable_mosaic.version = 14 : i64} {
  func.func @_prop_kernel(%arg0: i32, %arg1: i32, %arg2: memref<10000x128xf32, #tpu.memory_space<hbm>>, %arg3: memref<320000xi32, #tpu.memory_space<hbm>>, %arg4: memref<320000xi32, #tpu.memory_space<hbm>>, %arg5: memref<640x128xf32, #tpu.memory_space<hbm>>, %arg6: memref<2x10240x128xf32, #tpu.memory_space<hbm>>, %arg7: memref<10000xi32, #tpu.memory_space<vmem>>, %arg8: memref<10000xi32, #tpu.memory_space<vmem>>, %arg9: memref<80x128xf32, #tpu.memory_space<vmem>>, %arg10: memref<80x128xf32, #tpu.memory_space<vmem>>, %arg11: memref<10240x128xf32, #tpu.memory_space<vmem_shared>>, %arg12: memref<!tpu.dma_semaphore, #tpu.memory_space<semaphore_mem>>, %arg13: memref<!tpu.dma_semaphore, #tpu.memory_space<semaphore_mem>>, %arg14: memref<!tpu.dma_semaphore, #tpu.memory_space<semaphore_mem>>, %arg15: memref<!tpu.dma_semaphore, #tpu.memory_space<semaphore_mem>>) attributes {dimension_semantics = [#tpu.dimension_semantics<core_parallel>, #tpu.dimension_semantics<subcore_parallel>], iteration_bounds = array<i64: 2, 16>, scalar_prefetch = 0 : i64, scratch_operands = 9 : i64, tpu.core_type = #tpu.core_type<sc_vector_subcore>, window_params = [{transform_indices = #map}, {transform_indices = #map1}, {transform_indices = #map1}, {transform_indices = #map}, {transform_indices = #map2}]} {
    %mul3A = arith.constant 2 : i32
    %mul3A_0 = arith.muli %arg1, %mul3A : i32
    %add3A = arith.addi %mul3A_0, %arg0 : i32
    %mul3A_1 = arith.constant 10000 : i32
    %mul3A_2 = arith.muli %add3A, %mul3A_1 : i32
    "tpu.region"() ({
      %run_scoped3A = tpu.sem_alloc : memref<!tpu.dma_semaphore, #tpu.memory_space<semaphore_mem>>
      %dma_start3A_25 = tpu.memref_slice %arg3[%mul3A_2] : memref<320000xi32, #tpu.memory_space<hbm>> -> memref<10000xi32, #tpu.memory_space<hbm>>
      %dma_start3A_26 = tpu.memref_slice %arg3[%mul3A_2] : memref<320000xi32, #tpu.memory_space<hbm>> -> memref<10000xi32, #tpu.memory_space<hbm>>
      tpu.enqueue_dma source(%dma_start3A_26 : memref<10000xi32, #tpu.memory_space<hbm>>) target(%arg7 : memref<10000xi32, #tpu.memory_space<vmem>>) target_semaphore(%run_scoped3A : memref<!tpu.dma_semaphore, #tpu.memory_space<semaphore_mem>>)
      %dma_wait3A_27 = tpu.memref_slice %arg3[%mul3A_2] : memref<320000xi32, #tpu.memory_space<hbm>> -> memref<10000xi32, #tpu.memory_space<hbm>>
      %dma_wait3A_28 = tpu.memref_slice %arg3[%mul3A_2] : memref<320000xi32, #tpu.memory_space<hbm>> -> memref<10000xi32, #tpu.memory_space<hbm>>
      tpu.wait_dma2 semaphore(%run_scoped3A : memref<!tpu.dma_semaphore, #tpu.memory_space<semaphore_mem>>) src(%dma_wait3A_28 : memref<10000xi32, #tpu.memory_space<hbm>>) dst(%arg7 : memref<10000xi32, #tpu.memory_space<vmem>>)
      tpu.yield
    }) : () -> ()
    %mul3A_3 = arith.constant 10000 : i32
    %mul3A_4 = arith.muli %add3A, %mul3A_3 : i32
    "tpu.region"() ({
      %run_scoped3A = tpu.sem_alloc : memref<!tpu.dma_semaphore, #tpu.memory_space<semaphore_mem>>
      %dma_start3A_25 = tpu.memref_slice %arg4[%mul3A_4] : memref<320000xi32, #tpu.memory_space<hbm>> -> memref<10000xi32, #tpu.memory_space<hbm>>
      %dma_start3A_26 = tpu.memref_slice %arg4[%mul3A_4] : memref<320000xi32, #tpu.memory_space<hbm>> -> memref<10000xi32, #tpu.memory_space<hbm>>
      tpu.enqueue_dma source(%dma_start3A_26 : memref<10000xi32, #tpu.memory_space<hbm>>) target(%arg8 : memref<10000xi32, #tpu.memory_space<vmem>>) target_semaphore(%run_scoped3A : memref<!tpu.dma_semaphore, #tpu.memory_space<semaphore_mem>>)
      %dma_wait3A_27 = tpu.memref_slice %arg4[%mul3A_4] : memref<320000xi32, #tpu.memory_space<hbm>> -> memref<10000xi32, #tpu.memory_space<hbm>>
      %dma_wait3A_28 = tpu.memref_slice %arg4[%mul3A_4] : memref<320000xi32, #tpu.memory_space<hbm>> -> memref<10000xi32, #tpu.memory_space<hbm>>
      tpu.wait_dma2 semaphore(%run_scoped3A : memref<!tpu.dma_semaphore, #tpu.memory_space<semaphore_mem>>) src(%dma_wait3A_28 : memref<10000xi32, #tpu.memory_space<hbm>>) dst(%arg8 : memref<10000xi32, #tpu.memory_space<vmem>>)
      tpu.yield
    }) : () -> ()
    %mul3A_5 = arith.constant 640 : i32
    %mul3A_6 = arith.muli %arg1, %mul3A_5 : i32
    "tpu.region"() ({
      %run_scoped3A = tpu.sem_alloc : memref<!tpu.dma_semaphore, #tpu.memory_space<semaphore_mem>>
      %dma_start3A_25 = arith.constant 0 : i32
      %dma_start3A_26 = tpu.memref_slice %arg11[%mul3A_6, %dma_start3A_25] : memref<10240x128xf32, #tpu.memory_space<vmem_shared>> -> memref<640x128xf32, #tpu.memory_space<vmem_shared>>
      tpu.enqueue_dma source(%arg5 : memref<640x128xf32, #tpu.memory_space<hbm>>) target(%dma_start3A_26 : memref<640x128xf32, #tpu.memory_space<vmem_shared>>) target_semaphore(%run_scoped3A : memref<!tpu.dma_semaphore, #tpu.memory_space<semaphore_mem>>)
      %dma_wait3A_27 = arith.constant 0 : i32
      %dma_wait3A_28 = tpu.memref_slice %arg11[%mul3A_6, %dma_wait3A_27] : memref<10240x128xf32, #tpu.memory_space<vmem_shared>> -> memref<640x128xf32, #tpu.memory_space<vmem_shared>>
      tpu.wait_dma2 semaphore(%run_scoped3A : memref<!tpu.dma_semaphore, #tpu.memory_space<semaphore_mem>>) src(%arg5 : memref<640x128xf32, #tpu.memory_space<hbm>>) dst(%dma_wait3A_28 : memref<640x128xf32, #tpu.memory_space<vmem_shared>>)
      tpu.yield
    }) : () -> ()
    %barrier3A = arith.constant 0 : index
    tpu.barrier barrier_id(%barrier3A)
    %scan3A = arith.constant 0 : i32
    %scan3A_7 = arith.constant 0 : i32
    %scan3A_8 = arith.constant 62 : i32
    %scan3A_9 = arith.addi %scan3A_7, %scan3A_8 : i32
    %scan3A_10 = arith.constant 1 : i32
    scf.for %scan3A_25 = %scan3A_7 to %scan3A_9 step %scan3A_10  : i32 {
      %mul3A_26 = arith.constant 2 : i32
      %mul3A_27 = arith.muli %scan3A_25, %mul3A_26 : i32
      %add3A_28 = arith.constant 0 : i32
      %add3A_29 = arith.addi %mul3A_27, %add3A_28 : i32
      %mul3A_30 = arith.constant 80 : i32
      %mul3A_31 = arith.muli %add3A_29, %mul3A_30 : i32
      %dma_start3A_32 = tpu.memref_slice %arg7[%mul3A_31] : memref<10000xi32, #tpu.memory_space<vmem>> -> memref<80xi32, #tpu.memory_space<vmem>>
      %dma_start3A_33 = arith.constant 0 : i32
      %dma_start3A_34 = arith.constant 0 : i32
      %dma_start3A_35 = tpu.memref_slice %arg2[%dma_start3A_33, %dma_start3A_34] : memref<10000x128xf32, #tpu.memory_space<hbm>> -> memref<10000x128xf32, #tpu.memory_space<hbm>>
      tpu.enqueue_indirect_dma source(%dma_start3A_35 : memref<10000x128xf32, #tpu.memory_space<hbm>>) target(%arg9 : memref<80x128xf32, #tpu.memory_space<vmem>>) offsets(%dma_start3A_32 : memref<80xi32, #tpu.memory_space<vmem>>) semaphore(%arg12 : memref<!tpu.dma_semaphore, #tpu.memory_space<semaphore_mem>>)
      %mul3A_36 = arith.constant 2 : i32
      %mul3A_37 = arith.muli %scan3A_25, %mul3A_36 : i32
      %add3A_38 = arith.constant 1 : i32
      %add3A_39 = arith.addi %mul3A_37, %add3A_38 : i32
      %mul3A_40 = arith.constant 80 : i32
      %mul3A_41 = arith.muli %add3A_39, %mul3A_40 : i32
      %dma_start3A_42 = tpu.memref_slice %arg7[%mul3A_41] : memref<10000xi32, #tpu.memory_space<vmem>> -> memref<80xi32, #tpu.memory_space<vmem>>
      %dma_start3A_43 = arith.constant 0 : i32
      %dma_start3A_44 = arith.constant 0 : i32
      %dma_start3A_45 = tpu.memref_slice %arg2[%dma_start3A_43, %dma_start3A_44] : memref<10000x128xf32, #tpu.memory_space<hbm>> -> memref<10000x128xf32, #tpu.memory_space<hbm>>
      tpu.enqueue_indirect_dma source(%dma_start3A_45 : memref<10000x128xf32, #tpu.memory_space<hbm>>) target(%arg10 : memref<80x128xf32, #tpu.memory_space<vmem>>) offsets(%dma_start3A_42 : memref<80xi32, #tpu.memory_space<vmem>>) semaphore(%arg13 : memref<!tpu.dma_semaphore, #tpu.memory_space<semaphore_mem>>)
      %mul3A_46 = arith.constant 2 : i32
      %mul3A_47 = arith.muli %scan3A_25, %mul3A_46 : i32
      %add3A_48 = arith.constant 0 : i32
      %add3A_49 = arith.addi %mul3A_47, %add3A_48 : i32
      %mul3A_50 = arith.constant 80 : i32
      %mul3A_51 = arith.muli %add3A_49, %mul3A_50 : i32
      %dma_wait3A_52 = tpu.memref_slice %arg7[%mul3A_31] : memref<10000xi32, #tpu.memory_space<vmem>> -> memref<80xi32, #tpu.memory_space<vmem>>
      %dma_wait3A_53 = arith.constant 0 : i32
      %dma_wait3A_54 = arith.constant 0 : i32
      %dma_wait3A_55 = tpu.memref_slice %arg2[%dma_wait3A_53, %dma_wait3A_54] : memref<10000x128xf32, #tpu.memory_space<hbm>> -> memref<10000x128xf32, #tpu.memory_space<hbm>>
      tpu.wait_indirect_dma semaphore(%arg12 : memref<!tpu.dma_semaphore, #tpu.memory_space<semaphore_mem>>) src(%dma_wait3A_55 : memref<10000x128xf32, #tpu.memory_space<hbm>>) dst(%arg9 : memref<80x128xf32, #tpu.memory_space<vmem>>)
      %dma_start3A_56 = tpu.memref_slice %arg8[%mul3A_51] : memref<10000xi32, #tpu.memory_space<vmem>> -> memref<80xi32, #tpu.memory_space<vmem>>
      %dma_start3A_57 = arith.constant 0 : i32
      %dma_start3A_58 = arith.constant 0 : i32
      %dma_start3A_59 = tpu.memref_slice %arg11[%dma_start3A_57, %dma_start3A_58] : memref<10240x128xf32, #tpu.memory_space<vmem_shared>> -> memref<10240x128xf32, #tpu.memory_space<vmem_shared>>
      tpu.enqueue_indirect_dma source(%arg9 : memref<80x128xf32, #tpu.memory_space<vmem>>) target(%dma_start3A_59 : memref<10240x128xf32, #tpu.memory_space<vmem_shared>>) offsets(%dma_start3A_56 : memref<80xi32, #tpu.memory_space<vmem>>) semaphore(%arg14 : memref<!tpu.dma_semaphore, #tpu.memory_space<semaphore_mem>>) {add = true}
      %mul3A_60 = arith.constant 2 : i32
      %mul3A_61 = arith.muli %scan3A_25, %mul3A_60 : i32
      %add3A_62 = arith.constant 1 : i32
      %add3A_63 = arith.addi %mul3A_61, %add3A_62 : i32
      %mul3A_64 = arith.constant 80 : i32
      %mul3A_65 = arith.muli %add3A_63, %mul3A_64 : i32
      %dma_wait3A_66 = tpu.memref_slice %arg7[%mul3A_41] : memref<10000xi32, #tpu.memory_space<vmem>> -> memref<80xi32, #tpu.memory_space<vmem>>
      %dma_wait3A_67 = arith.constant 0 : i32
      %dma_wait3A_68 = arith.constant 0 : i32
      %dma_wait3A_69 = tpu.memref_slice %arg2[%dma_wait3A_67, %dma_wait3A_68] : memref<10000x128xf32, #tpu.memory_space<hbm>> -> memref<10000x128xf32, #tpu.memory_space<hbm>>
      tpu.wait_indirect_dma semaphore(%arg13 : memref<!tpu.dma_semaphore, #tpu.memory_space<semaphore_mem>>) src(%dma_wait3A_69 : memref<10000x128xf32, #tpu.memory_space<hbm>>) dst(%arg10 : memref<80x128xf32, #tpu.memory_space<vmem>>)
      %dma_start3A_70 = tpu.memref_slice %arg8[%mul3A_65] : memref<10000xi32, #tpu.memory_space<vmem>> -> memref<80xi32, #tpu.memory_space<vmem>>
      %dma_start3A_71 = arith.constant 0 : i32
      %dma_start3A_72 = arith.constant 0 : i32
      %dma_start3A_73 = tpu.memref_slice %arg11[%dma_start3A_71, %dma_start3A_72] : memref<10240x128xf32, #tpu.memory_space<vmem_shared>> -> memref<10240x128xf32, #tpu.memory_space<vmem_shared>>
      tpu.enqueue_indirect_dma source(%arg10 : memref<80x128xf32, #tpu.memory_space<vmem>>) target(%dma_start3A_73 : memref<10240x128xf32, #tpu.memory_space<vmem_shared>>) offsets(%dma_start3A_70 : memref<80xi32, #tpu.memory_space<vmem>>) semaphore(%arg15 : memref<!tpu.dma_semaphore, #tpu.memory_space<semaphore_mem>>) {add = true}
      %dma_wait3A_74 = tpu.memref_slice %arg8[%mul3A_51] : memref<10000xi32, #tpu.memory_space<vmem>> -> memref<80xi32, #tpu.memory_space<vmem>>
      %dma_wait3A_75 = arith.constant 0 : i32
      %dma_wait3A_76 = arith.constant 0 : i32
      %dma_wait3A_77 = tpu.memref_slice %arg11[%dma_wait3A_75, %dma_wait3A_76] : memref<10240x128xf32, #tpu.memory_space<vmem_shared>> -> memref<10240x128xf32, #tpu.memory_space<vmem_shared>>
      tpu.wait_indirect_dma semaphore(%arg14 : memref<!tpu.dma_semaphore, #tpu.memory_space<semaphore_mem>>) src(%arg9 : memref<80x128xf32, #tpu.memory_space<vmem>>) dst(%dma_wait3A_77 : memref<10240x128xf32, #tpu.memory_space<vmem_shared>>)
      %dma_wait3A_78 = tpu.memref_slice %arg8[%mul3A_65] : memref<10000xi32, #tpu.memory_space<vmem>> -> memref<80xi32, #tpu.memory_space<vmem>>
      %dma_wait3A_79 = arith.constant 0 : i32
      %dma_wait3A_80 = arith.constant 0 : i32
      %dma_wait3A_81 = tpu.memref_slice %arg11[%dma_wait3A_79, %dma_wait3A_80] : memref<10240x128xf32, #tpu.memory_space<vmem_shared>> -> memref<10240x128xf32, #tpu.memory_space<vmem_shared>>
      tpu.wait_indirect_dma semaphore(%arg15 : memref<!tpu.dma_semaphore, #tpu.memory_space<semaphore_mem>>) src(%arg10 : memref<80x128xf32, #tpu.memory_space<vmem>>) dst(%dma_wait3A_81 : memref<10240x128xf32, #tpu.memory_space<vmem_shared>>)
    }
    %scan3A_11 = arith.constant 62 : i32
    %dma_start3A = arith.constant 9920 : i32
    %dma_start3A_12 = tpu.memref_slice %arg7[%dma_start3A] : memref<10000xi32, #tpu.memory_space<vmem>> -> memref<80xi32, #tpu.memory_space<vmem>>
    %dma_start3A_13 = arith.constant 0 : i32
    %dma_start3A_14 = arith.constant 0 : i32
    %dma_start3A_15 = tpu.memref_slice %arg2[%dma_start3A_13, %dma_start3A_14] : memref<10000x128xf32, #tpu.memory_space<hbm>> -> memref<10000x128xf32, #tpu.memory_space<hbm>>
    tpu.enqueue_indirect_dma source(%dma_start3A_15 : memref<10000x128xf32, #tpu.memory_space<hbm>>) target(%arg9 : memref<80x128xf32, #tpu.memory_space<vmem>>) offsets(%dma_start3A_12 : memref<80xi32, #tpu.memory_space<vmem>>) semaphore(%arg12 : memref<!tpu.dma_semaphore, #tpu.memory_space<semaphore_mem>>)
    %dma_wait3A = arith.constant 9920 : i32
    %dma_wait3A_16 = tpu.memref_slice %arg7[%dma_wait3A] : memref<10000xi32, #tpu.memory_space<vmem>> -> memref<80xi32, #tpu.memory_space<vmem>>
    %dma_wait3A_17 = arith.constant 0 : i32
    %dma_wait3A_18 = arith.constant 0 : i32
    %dma_wait3A_19 = tpu.memref_slice %arg2[%dma_wait3A_17, %dma_wait3A_18] : memref<10000x128xf32, #tpu.memory_space<hbm>> -> memref<10000x128xf32, #tpu.memory_space<hbm>>
    tpu.wait_indirect_dma semaphore(%arg12 : memref<!tpu.dma_semaphore, #tpu.memory_space<semaphore_mem>>) src(%dma_wait3A_19 : memref<10000x128xf32, #tpu.memory_space<hbm>>) dst(%arg9 : memref<80x128xf32, #tpu.memory_space<vmem>>)
    "tpu.region"() ({
      %run_scoped3A = tpu.sem_alloc : memref<!tpu.dma_semaphore, #tpu.memory_space<semaphore_mem>>
      %dma_start3A_25 = arith.constant 9920 : i32
      %dma_start3A_26 = tpu.memref_slice %arg8[%dma_start3A_25] : memref<10000xi32, #tpu.memory_space<vmem>> -> memref<80xi32, #tpu.memory_space<vmem>>
      %dma_start3A_27 = arith.constant 0 : i32
      %dma_start3A_28 = arith.constant 0 : i32
      %dma_start3A_29 = tpu.memref_slice %arg11[%dma_start3A_27, %dma_start3A_28] : memref<10240x128xf32, #tpu.memory_space<vmem_shared>> -> memref<10240x128xf32, #tpu.memory_space<vmem_shared>>
      tpu.enqueue_indirect_dma source(%arg9 : memref<80x128xf32, #tpu.memory_space<vmem>>) target(%dma_start3A_29 : memref<10240x128xf32, #tpu.memory_space<vmem_shared>>) offsets(%dma_start3A_26 : memref<80xi32, #tpu.memory_space<vmem>>) semaphore(%run_scoped3A : memref<!tpu.dma_semaphore, #tpu.memory_space<semaphore_mem>>) {add = true}
      %dma_wait3A_30 = arith.constant 9920 : i32
      %dma_wait3A_31 = tpu.memref_slice %arg8[%dma_wait3A_30] : memref<10000xi32, #tpu.memory_space<vmem>> -> memref<80xi32, #tpu.memory_space<vmem>>
      %dma_wait3A_32 = arith.constant 0 : i32
      %dma_wait3A_33 = arith.constant 0 : i32
      %dma_wait3A_34 = tpu.memref_slice %arg11[%dma_wait3A_32, %dma_wait3A_33] : memref<10240x128xf32, #tpu.memory_space<vmem_shared>> -> memref<10240x128xf32, #tpu.memory_space<vmem_shared>>
      tpu.wait_indirect_dma semaphore(%run_scoped3A : memref<!tpu.dma_semaphore, #tpu.memory_space<semaphore_mem>>) src(%arg9 : memref<80x128xf32, #tpu.memory_space<vmem>>) dst(%dma_wait3A_34 : memref<10240x128xf32, #tpu.memory_space<vmem_shared>>)
      tpu.yield
    }) : () -> ()
    %barrier3A_20 = arith.constant 0 : index
    tpu.barrier barrier_id(%barrier3A_20)
    %mul3A_21 = arith.constant 640 : i32
    %mul3A_22 = arith.muli %arg1, %mul3A_21 : i32
    %mul3A_23 = arith.constant 640 : i32
    %mul3A_24 = arith.muli %arg1, %mul3A_23 : i32
    "tpu.region"() ({
      %run_scoped3A = tpu.sem_alloc : memref<!tpu.dma_semaphore, #tpu.memory_space<semaphore_mem>>
      %dma_start3A_25 = arith.constant 0 : i32
      %dma_start3A_26 = tpu.memref_slice %arg6[%arg0, %mul3A_24, %dma_start3A_25] : memref<2x10240x128xf32, #tpu.memory_space<hbm>> -> memref<1x640x128xf32, #tpu.memory_space<hbm>>
      %dma_start3A_27 = tpu.memref_squeeze %dma_start3A_26 : memref<1x640x128xf32, #tpu.memory_space<hbm>> -> memref<640x128xf32, #tpu.memory_space<hbm>>
      %dma_start3A_28 = arith.constant 0 : i32
      %dma_start3A_29 = tpu.memref_slice %arg11[%mul3A_22, %dma_start3A_28] : memref<10240x128xf32, #tpu.memory_space<vmem_shared>> -> memref<640x128xf32, #tpu.memory_space<vmem_shared>>
      tpu.enqueue_dma source(%dma_start3A_29 : memref<640x128xf32, #tpu.memory_space<vmem_shared>>) target(%dma_start3A_27 : memref<640x128xf32, #tpu.memory_space<hbm>>) target_semaphore(%run_scoped3A : memref<!tpu.dma_semaphore, #tpu.memory_space<semaphore_mem>>)
      %dma_wait3A_30 = arith.constant 0 : i32
      %dma_wait3A_31 = tpu.memref_slice %arg6[%arg0, %mul3A_24, %dma_wait3A_30] : memref<2x10240x128xf32, #tpu.memory_space<hbm>> -> memref<1x640x128xf32, #tpu.memory_space<hbm>>
      %dma_wait3A_32 = tpu.memref_squeeze %dma_wait3A_31 : memref<1x640x128xf32, #tpu.memory_space<hbm>> -> memref<640x128xf32, #tpu.memory_space<hbm>>
      %dma_wait3A_33 = arith.constant 0 : i32
      %dma_wait3A_34 = tpu.memref_slice %arg11[%mul3A_22, %dma_wait3A_33] : memref<10240x128xf32, #tpu.memory_space<vmem_shared>> -> memref<640x128xf32, #tpu.memory_space<vmem_shared>>
      tpu.wait_dma2 semaphore(%run_scoped3A : memref<!tpu.dma_semaphore, #tpu.memory_space<semaphore_mem>>) src(%dma_wait3A_34 : memref<640x128xf32, #tpu.memory_space<vmem_shared>>) dst(%dma_wait3A_32 : memref<640x128xf32, #tpu.memory_space<hbm>>)
      tpu.yield
    }) : () -> ()
    return
  }
}

module attributes {stable_mosaic.version = 14 : i64} {
  func.func @_tc_in_body(%arg0: memref<10000x128xf32, #tpu.memory_space<vmem>>, %arg1: memref<128x128xf32, #tpu.memory_space<vmem>>, %arg2: memref<128xf32, #tpu.memory_space<vmem>>, %arg3: memref<2x10240x128xf32, #tpu.memory_space<vmem>>, %arg4: memref<10000x128xf32, #tpu.memory_space<vmem>>, %arg5: memref<10000x1xf32, #tpu.memory_space<vmem>>) attributes {dimension_semantics = [], scalar_prefetch = 0 : i64, scratch_operands = 0 : i64, tpu.core_type = #tpu.core_type<tc>} {
    %get3A = arith.constant 0 : index
    %get3A_0 = arith.constant 0 : index
    %get3A_1 = arith.constant 0 : index
    %get3A_2 = vector.load %arg3[%get3A, %get3A_0, %get3A_1] : memref<2x10240x128xf32, #tpu.memory_space<vmem>>, vector<2x10240x128xf32>
    %slice3A = vector.extract_strided_slice %get3A_2 {offsets = [0, 0, 0], sizes = [1, 10000, 1], strides = [1, 1, 1]} : vector<2x10240x128xf32> to vector<1x10000x1xf32>
    %squeeze3A = vector.shape_cast %slice3A : vector<1x10000x1xf32> to vector<10000xf32>
    %add3A = arith.constant 1.000000e+00 : f32
    %add3A_3 = vector.broadcast %add3A : f32 to vector<10000xf32>
    %add3A_4 = arith.addf %add3A_3, %squeeze3A : vector<10000xf32>
    %slice3A_5 = vector.extract_strided_slice %get3A_2 {offsets = [1, 0, 0], sizes = [1, 10000, 1], strides = [1, 1, 1]} : vector<2x10240x128xf32> to vector<1x10000x1xf32>
    %squeeze3A_6 = vector.shape_cast %slice3A_5 : vector<1x10000x1xf32> to vector<10000xf32>
    %add3A_7 = arith.addf %add3A_4, %squeeze3A_6 : vector<10000xf32>
    %rsqrt3A = math.rsqrt %add3A_7 : vector<10000xf32>
    %broadcast_in_dim3A = vector.shape_cast %rsqrt3A : vector<10000xf32> to vector<10000x1xf32>
    %get3A_8 = arith.constant 0 : index
    %get3A_9 = arith.constant 0 : index
    %get3A_10 = vector.load %arg0[%get3A_8, %get3A_9] : memref<10000x128xf32, #tpu.memory_space<vmem>>, vector<10000x128xf32>
    %get3A_11 = arith.constant 0 : index
    %get3A_12 = arith.constant 0 : index
    %get3A_13 = vector.load %arg1[%get3A_11, %get3A_12] : memref<128x128xf32, #tpu.memory_space<vmem>>, vector<128x128xf32>
    %transpose3A = tpu.transpose %get3A_13, [1, 0] : vector<128x128xf32> -> vector<128x128xf32>
    %dot_general3A = arith.constant dense<0.000000e+00> : vector<10000x128xf32>
    %dot_general3A_14 = tpu.matmul %get3A_10, %transpose3A, %dot_general3A {dimension_numbers = #tpu.dot_dimension_numbers<[1], [0], [0], [1], [0, 0, 1, 1], [], []>, transpose_lhs_hint = false} : vector<10000x128xf32>, vector<128x128xf32>, vector<10000x128xf32> -> vector<10000x128xf32>
    %get3A_15 = arith.constant 0 : index
    %get3A_16 = vector.load %arg2[%get3A_15] : memref<128xf32, #tpu.memory_space<vmem>>, vector<128xf32>
    %broadcast_in_dim3A_17 = vector.shape_cast %get3A_16 : vector<128xf32> to vector<1x128xf32>
    %add3A_18 = vector.broadcast %broadcast_in_dim3A_17 : vector<1x128xf32> to vector<10000x128xf32>
    %add3A_19 = arith.addf %dot_general3A_14, %add3A_18 : vector<10000x128xf32>
    %ge3A = arith.constant 0.000000e+00 : f32
    %ge3A_20 = vector.broadcast %ge3A : f32 to vector<10000x128xf32>
    %ge3A_21 = arith.cmpf oge, %add3A_19, %ge3A_20 : vector<10000x128xf32>
    %mul3A = arith.constant 0.00999999977 : f32
    %mul3A_22 = vector.broadcast %mul3A : f32 to vector<10000x128xf32>
    %mul3A_23 = arith.mulf %mul3A_22, %add3A_19 : vector<10000x128xf32>
    %select_n3A = arith.select %ge3A_21, %add3A_19, %mul3A_23 : vector<10000x128xi1>, vector<10000x128xf32>
    %mul3A_24 = vector.broadcast %broadcast_in_dim3A : vector<10000x1xf32> to vector<10000x128xf32>
    %mul3A_25 = arith.mulf %mul3A_24, %select_n3A : vector<10000x128xf32>
    %swap3A = arith.constant 0 : index
    %swap3A_26 = arith.constant 0 : index
    %swap3A_27 = vector.load %arg4[%swap3A, %swap3A_26] : memref<10000x128xf32, #tpu.memory_space<vmem>>, vector<10000x128xf32>
    tpu.vector_store %arg4[%swap3A, %swap3A_26], %mul3A_25 {strides = array<i32>} : memref<10000x128xf32, #tpu.memory_space<vmem>>, vector<10000x128xf32>,
    %swap3A_28 = arith.constant 0 : index
    %swap3A_29 = arith.constant 0 : index
    %swap3A_30 = vector.load %arg5[%swap3A_28, %swap3A_29] : memref<10000x1xf32, #tpu.memory_space<vmem>>, vector<10000x1xf32>
    tpu.vector_store %arg5[%swap3A_28, %swap3A_29], %broadcast_in_dim3A {strides = array<i32>} : memref<10000x1xf32, #tpu.memory_space<vmem>>, vector<10000x1xf32>,
    return
  }
}

module attributes {stable_mosaic.version = 14 : i64} {
  func.func @_tc_mid_body(%arg0: memref<2x10240x128xf32, #tpu.memory_space<vmem>>, %arg1: memref<10000x128xf32, #tpu.memory_space<vmem>>, %arg2: memref<10000x1xf32, #tpu.memory_space<vmem>>, %arg3: memref<128x128xf32, #tpu.memory_space<vmem>>, %arg4: memref<128xf32, #tpu.memory_space<vmem>>, %arg5: memref<10000x128xf32, #tpu.memory_space<vmem>>) attributes {dimension_semantics = [], scalar_prefetch = 0 : i64, scratch_operands = 0 : i64, tpu.core_type = #tpu.core_type<tc>} {
    %get3A = arith.constant 0 : index
    %get3A_0 = arith.constant 0 : index
    %get3A_1 = vector.load %arg2[%get3A, %get3A_0] : memref<10000x1xf32, #tpu.memory_space<vmem>>, vector<10000x1xf32>
    %get3A_2 = arith.constant 0 : index
    %get3A_3 = arith.constant 0 : index
    %get3A_4 = arith.constant 0 : index
    %get3A_5 = vector.load %arg0[%get3A_2, %get3A_3, %get3A_4] : memref<2x10240x128xf32, #tpu.memory_space<vmem>>, vector<2x10240x128xf32>
    %slice3A = vector.extract_strided_slice %get3A_5 {offsets = [0, 0, 0], sizes = [1, 10000, 128], strides = [1, 1, 1]} : vector<2x10240x128xf32> to vector<1x10000x128xf32>
    %squeeze3A = vector.shape_cast %slice3A : vector<1x10000x128xf32> to vector<10000x128xf32>
    %slice3A_6 = vector.extract_strided_slice %get3A_5 {offsets = [1, 0, 0], sizes = [1, 10000, 128], strides = [1, 1, 1]} : vector<2x10240x128xf32> to vector<1x10000x128xf32>
    %squeeze3A_7 = vector.shape_cast %slice3A_6 : vector<1x10000x128xf32> to vector<10000x128xf32>
    %add3A = arith.addf %squeeze3A, %squeeze3A_7 : vector<10000x128xf32>
    %get3A_8 = arith.constant 0 : index
    %get3A_9 = arith.constant 0 : index
    %get3A_10 = vector.load %arg1[%get3A_8, %get3A_9] : memref<10000x128xf32, #tpu.memory_space<vmem>>, vector<10000x128xf32>
    %add3A_11 = arith.addf %add3A, %get3A_10 : vector<10000x128xf32>
    %mul3A = vector.broadcast %get3A_1 : vector<10000x1xf32> to vector<10000x128xf32>
    %mul3A_12 = arith.mulf %mul3A, %add3A_11 : vector<10000x128xf32>
    %get3A_13 = arith.constant 0 : index
    %get3A_14 = arith.constant 0 : index
    %get3A_15 = vector.load %arg3[%get3A_13, %get3A_14] : memref<128x128xf32, #tpu.memory_space<vmem>>, vector<128x128xf32>
    %transpose3A = tpu.transpose %get3A_15, [1, 0] : vector<128x128xf32> -> vector<128x128xf32>
    %dot_general3A = arith.constant dense<0.000000e+00> : vector<10000x128xf32>
    %dot_general3A_16 = tpu.matmul %mul3A_12, %transpose3A, %dot_general3A {dimension_numbers = #tpu.dot_dimension_numbers<[1], [0], [0], [1], [0, 0, 1, 1], [], []>, transpose_lhs_hint = false} : vector<10000x128xf32>, vector<128x128xf32>, vector<10000x128xf32> -> vector<10000x128xf32>
    %get3A_17 = arith.constant 0 : index
    %get3A_18 = vector.load %arg4[%get3A_17] : memref<128xf32, #tpu.memory_space<vmem>>, vector<128xf32>
    %broadcast_in_dim3A = vector.shape_cast %get3A_18 : vector<128xf32> to vector<1x128xf32>
    %add3A_19 = vector.broadcast %broadcast_in_dim3A : vector<1x128xf32> to vector<10000x128xf32>
    %add3A_20 = arith.addf %dot_general3A_16, %add3A_19 : vector<10000x128xf32>
    %mul3A_21 = vector.broadcast %get3A_1 : vector<10000x1xf32> to vector<10000x128xf32>
    %mul3A_22 = arith.mulf %mul3A_21, %add3A_20 : vector<10000x128xf32>
    %swap3A = arith.constant 0 : index
    %swap3A_23 = arith.constant 0 : index
    %swap3A_24 = vector.load %arg5[%swap3A, %swap3A_23] : memref<10000x128xf32, #tpu.memory_space<vmem>>, vector<10000x128xf32>
    tpu.vector_store %arg5[%swap3A, %swap3A_23], %mul3A_22 {strides = array<i32>} : memref<10000x128xf32, #tpu.memory_space<vmem>>, vector<10000x128xf32>,
    return
  }
}

module attributes {stable_mosaic.version = 14 : i64} {
  func.func @_tc_final_body(%arg0: memref<2x10240x128xf32, #tpu.memory_space<vmem>>, %arg1: memref<10000x128xf32, #tpu.memory_space<vmem>>, %arg2: memref<10000x1xf32, #tpu.memory_space<vmem>>, %arg3: memref<128x128xf32, #tpu.memory_space<vmem>>, %arg4: memref<128xf32, #tpu.memory_space<vmem>>, %arg5: memref<3x128xf32, #tpu.memory_space<vmem>>, %arg6: memref<3xf32, #tpu.memory_space<vmem>>, %arg7: memref<10000x3xf32, #tpu.memory_space<vmem>>) attributes {dimension_semantics = [], scalar_prefetch = 0 : i64, scratch_operands = 0 : i64, tpu.core_type = #tpu.core_type<tc>} {
    %get3A = arith.constant 0 : index
    %get3A_0 = arith.constant 0 : index
    %get3A_1 = vector.load %arg2[%get3A, %get3A_0] : memref<10000x1xf32, #tpu.memory_space<vmem>>, vector<10000x1xf32>
    %get3A_2 = arith.constant 0 : index
    %get3A_3 = arith.constant 0 : index
    %get3A_4 = arith.constant 0 : index
    %get3A_5 = vector.load %arg0[%get3A_2, %get3A_3, %get3A_4] : memref<2x10240x128xf32, #tpu.memory_space<vmem>>, vector<2x10240x128xf32>
    %slice3A = vector.extract_strided_slice %get3A_5 {offsets = [0, 0, 0], sizes = [1, 10000, 128], strides = [1, 1, 1]} : vector<2x10240x128xf32> to vector<1x10000x128xf32>
    %squeeze3A = vector.shape_cast %slice3A : vector<1x10000x128xf32> to vector<10000x128xf32>
    %slice3A_6 = vector.extract_strided_slice %get3A_5 {offsets = [1, 0, 0], sizes = [1, 10000, 128], strides = [1, 1, 1]} : vector<2x10240x128xf32> to vector<1x10000x128xf32>
    %squeeze3A_7 = vector.shape_cast %slice3A_6 : vector<1x10000x128xf32> to vector<10000x128xf32>
    %add3A = arith.addf %squeeze3A, %squeeze3A_7 : vector<10000x128xf32>
    %get3A_8 = arith.constant 0 : index
    %get3A_9 = arith.constant 0 : index
    %get3A_10 = vector.load %arg1[%get3A_8, %get3A_9] : memref<10000x128xf32, #tpu.memory_space<vmem>>, vector<10000x128xf32>
    %add3A_11 = arith.addf %add3A, %get3A_10 : vector<10000x128xf32>
    %mul3A = vector.broadcast %get3A_1 : vector<10000x1xf32> to vector<10000x128xf32>
    %mul3A_12 = arith.mulf %mul3A, %add3A_11 : vector<10000x128xf32>
    %get3A_13 = arith.constant 0 : index
    %get3A_14 = arith.constant 0 : index
    %get3A_15 = vector.load %arg3[%get3A_13, %get3A_14] : memref<128x128xf32, #tpu.memory_space<vmem>>, vector<128x128xf32>
    %transpose3A = tpu.transpose %get3A_15, [1, 0] : vector<128x128xf32> -> vector<128x128xf32>
    %dot_general3A = arith.constant dense<0.000000e+00> : vector<10000x128xf32>
    %dot_general3A_16 = tpu.matmul %mul3A_12, %transpose3A, %dot_general3A {dimension_numbers = #tpu.dot_dimension_numbers<[1], [0], [0], [1], [0, 0, 1, 1], [], []>, transpose_lhs_hint = false} : vector<10000x128xf32>, vector<128x128xf32>, vector<10000x128xf32> -> vector<10000x128xf32>
    %get3A_17 = arith.constant 0 : index
    %get3A_18 = vector.load %arg4[%get3A_17] : memref<128xf32, #tpu.memory_space<vmem>>, vector<128xf32>
    %broadcast_in_dim3A = vector.shape_cast %get3A_18 : vector<128xf32> to vector<1x128xf32>
    %add3A_19 = vector.broadcast %broadcast_in_dim3A : vector<1x128xf32> to vector<10000x128xf32>
    %add3A_20 = arith.addf %dot_general3A_16, %add3A_19 : vector<10000x128xf32>
    %get3A_21 = arith.constant 0 : index
    %get3A_22 = arith.constant 0 : index
    %get3A_23 = vector.load %arg5[%get3A_21, %get3A_22] : memref<3x128xf32, #tpu.memory_space<vmem>>, vector<3x128xf32>
    %transpose3A_24 = tpu.transpose %get3A_23, [1, 0] : vector<3x128xf32> -> vector<128x3xf32>
    %dot_general3A_25 = arith.constant dense<0.000000e+00> : vector<10000x3xf32>
    %dot_general3A_26 = tpu.matmul %add3A_20, %transpose3A_24, %dot_general3A_25 {dimension_numbers = #tpu.dot_dimension_numbers<[1], [0], [0], [1], [0, 0, 1, 1], [], []>, transpose_lhs_hint = false} : vector<10000x128xf32>, vector<128x3xf32>, vector<10000x3xf32> -> vector<10000x3xf32>
    %get3A_27 = arith.constant 0 : index
    %get3A_28 = vector.load %arg6[%get3A_27] : memref<3xf32, #tpu.memory_space<vmem>>, vector<3xf32>
    %broadcast_in_dim3A_29 = vector.shape_cast %get3A_28 : vector<3xf32> to vector<1x3xf32>
    %add3A_30 = vector.broadcast %broadcast_in_dim3A_29 : vector<1x3xf32> to vector<10000x3xf32>
    %add3A_31 = arith.addf %dot_general3A_26, %add3A_30 : vector<10000x3xf32>
    %swap3A = arith.constant 0 : index
    %swap3A_32 = arith.constant 0 : index
    %swap3A_33 = vector.load %arg7[%swap3A, %swap3A_32] : memref<10000x3xf32, #tpu.memory_space<vmem>>, vector<10000x3xf32>
    tpu.vector_store %arg7[%swap3A, %swap3A_32], %add3A_31 {strides = array<i32>} : memref<10000x3xf32, #tpu.memory_space<vmem>>, vector<10000x3xf32>,
    return
  }
}

</mosaic_0001>

<sc_bundles>
// kernel: kernel.11.cloned.1.call-start
scs
__scs_entry_jumppad:
0x0: {  	(pc) =	sbr.rel $0x88, $3  }
0x1: {  	(tag) =	ssettag $0x0;
	lr =	simm.s32 $0x1  }
0x2: {  	[smem:$0x3F97] =	sst lr;
	_ =	strace $0xD0000000  }
0x3: {  	_ = 	snop  }
0x4: {  	_ = 	snop  }
0x5: {  	_ = 	snop  }
0x6: {  	_ = 	snop  }
0x7: {  	_ = 	snop  }
__scs_overlays_trampoline_lowered:
0x8: {  	[smem:$0x3FA6] =	sst s0  }
0x9: {  	[smem:$0x3FA7] =	sst s1  }
0xa: {  	[smem:$0x3FA8] =	sst s2  }
0xb: {  	[smem:$0x3FA9] =	sst s3  }
0xc: {  	[smem:$0x3FAA] =	sst s4  }
0xd: {  	[smem:$0x3FAB] =	sst s5  }
0xe: {  	[smem:$0x3FAC] =	sst s6  }
0xf: {  	[smem:$0x3FAD] =	sst s7  }
0x10: {  	[smem:$0x3FAE] =	sst s8  }
0x11: {  	[smem:$0x3FAF] =	sst s9;
	s0 =	simm.s32 @!p0 $0x0  }
0x12: {  	s1 =	sld [smem:$0x3F95];
	s0 =	simm.s32 @p0 $0x1  }
0x13: {  	[smem:$0x3FB0] =	sst s0;
	s0 =	simm.s32 @!p1 $0x0  }
0x14: {  	s2 =	sld [smem:$0x3F94];
	s0 =	simm.s32 @p1 $0x1  }
0x15: {  	[smem:$0x3FB1] =	sst s0;
	s0 =	simm.s32 @!p2 $0x0  }
0x16: {  	s3 =	sld [smem:$0x3FDB];
	s0 =	simm.s32 @p2 $0x1  }
0x17: {  	s4 =	simm.s32 $0x1BF5;
	[smem:$0x3FB3] =	sst s0  }
0x18: {  	s0 =	sld [smem:$0x3F96];
	_ =	swait.ge [sflag:s4], $0x0  }
0x19: {  	s7 =	sld [smem:$0x3F97]  }
0x1a: {  	s8 =	sadd.s32 $0xFFFFE003, lr  }
0x1b: {  	s9 =	sadd.s32 $0xFFFFFEF7, lr;
	s5 =	simm.s32 $0xFFFFFFFF;
	p2 =	slt.u32 s8, $0xFFFFF086  }
0x1c: {  	p1 =	slt.u32 s9, $0xF7A;
	s5 =	simm.s32 @!p2 $0x0  }
0x1d: {  	s5 =	simm.s32 @p1 $0x1;
	p0 =	seq.s32 s7, s2  }
0x1e: {  	s7 =	smul.u32 @!p0 $0xF7A, s2;
	p2 =	seq.s32 @!p0 s5, $0x0  }
0x1f: {  	s9 =	smul.u32 $0xF7A, s1;
	s8 =	simm.s32 @!p0 $0x1BF5;
	p2 =	por !p2, p0  }
0x20: {  	[sflag:s8] =	ssyncset.s32 @!p0 $0xFFFFF086;
	s6 =	sadd.s32 @!p0 s3, s7;
	s7 =	simm.s32 @!p0 $0x108  }
0x21: {  	s3 =	sadd.s32 s3, s9;
	s6 =	sadd.s32 @!p0 $0x88, s6;
	s7 =	simm.s32 @p2 $0x1082  }
0x22: {  	[simem:s7], [sflag:s8] =	dma.local @!p0 [hbm:s6], $0xF7A  }
0x23: {  	s9 =	sor.u32 $0xD0000000, s2;
	s6 =	simm.s32 $0x108;
	_ =	swait.ge @!p0 [sflag:s8], $0x0  }
0x24: {  	s3 =	sadd.s32 $0x88, s3;
	s6 =	simm.s32 @!p1 $0x1082;
	[sflag:s4] =	ssyncset.s32 $0xFFFFF086  }
0x25: {  	[simem:s6], [sflag:s4] =	dma.local [hbm:s3], $0xF7A  }
0x26: {  	[smem:$0x3F97] =	sst s1;
	(tag) =	ssettag s2;
	_ =	strace s9  }
0x27: {  	s1 =	sld [smem:$0x3FA7]  }
0x28: {  	s2 =	sld [smem:$0x3FA8]  }
0x29: {  	s4 =	sld [smem:$0x3FAA]  }
0x2a: {  	p0 =	seq.s32 s5, $0x0;
	s5 =	sld [smem:$0x3FAB]  }
0x2b: {  	s6 =	sld [smem:$0x3FAC]  }
0x2c: {  	s7 =	sld [smem:$0x3FAD]  }
0x2d: {  	s3 =	simm.s32 $0x108;
	s8 =	sld [smem:$0x3FAE]  }
0x2e: {  	s3 =	simm.s32 @!p0 $0x1082;
	s9 =	sld [smem:$0x3FAF]  }
0x2f: {  	lr =	sadd.s32 s0, s3;
	s0 =	sld [smem:$0x3FA6]  }
0x30: {  	s3 =	sld [smem:$0x3FA9]  }
0x31: {  	[smem:$0x3FB2] =	sst s10  }
0x32: {  	s10 =	sld [smem:$0x3FB0];
	_ =	sdelay $0x3  }
0x33: {  	p0 =	seq.s32 s10, $0x1;
	s10 =	sld [smem:$0x3FB2];
	_ =	sdelay $0x3  }
0x34: {  	[smem:$0x3FB2] =	sst s10  }
0x35: {  	s10 =	sld [smem:$0x3FB1];
	_ =	sdelay $0x3  }
0x36: {  	p1 =	seq.s32 s10, $0x1;
	s10 =	sld [smem:$0x3FB2];
	_ =	sdelay $0x3  }
0x37: {  	[smem:$0x3FB2] =	sst s10  }
0x38: {  	s10 =	sld [smem:$0x3FB3]  }
0x39: {  	_ = 	snop;
	(pc) =	sbr.ind lr, $3  }
0x3a: {  	_ = 	snop  }
0x3b: {  	_ = 	snop  }
0x3c: {  	p2 =	seq.s32 s10, $0x1;
	s10 =	sld [smem:$0x3FB2]  }
0x3d: {  	_ =	shalt  }
0x3e: {  	_ =	shalt  }
0x3f: {  	_ =	shalt  }
0x40: {  	_ =	shalt  }
0x41: {  	_ =	shalt  }
0x42: {  	_ =	shalt  }
0x43: {  	_ =	shalt  }
0x44: {  	_ =	shalt  }
0x45: {  	_ =	shalt  }
0x46: {  	_ =	shalt  }
0x47: {  	_ =	shalt  }
0x48: {  	_ =	shalt  }
0x49: {  	_ =	shalt  }
0x4a: {  	_ =	shalt  }
0x4b: {  	_ =	shalt  }
0x4c: {  	_ =	shalt  }
0x4d: {  	_ =	shalt  }
0x4e: {  	_ =	shalt  }
0x4f: {  	_ =	shalt  }
0x50: {  	_ =	shalt  }
0x51: {  	_ =	shalt  }
0x52: {  	_ =	shalt  }
0x53: {  	_ =	shalt  }
0x54: {  	_ =	shalt  }
0x55: {  	_ =	shalt  }
0x56: {  	_ =	shalt  }
0x57: {  	_ =	shalt  }
0x58: {  	_ =	shalt  }
0x59: {  	_ =	shalt  }
0x5a: {  	_ =	shalt  }
0x5b: {  	_ =	shalt  }
0x5c: {  	_ =	shalt  }
0x5d: {  	_ =	shalt  }
0x5e: {  	_ =	shalt  }
0x5f: {  	_ =	shalt  }
0x60: {  	_ =	shalt  }
0x61: {  	_ =	shalt  }
0x62: {  	_ =	shalt  }
0x63: {  	_ =	shalt  }
0x64: {  	_ =	shalt  }
0x65: {  	_ =	shalt  }
0x66: {  	_ =	shalt  }
0x67: {  	_ =	shalt  }
0x68: {  	_ =	shalt  }
0x69: {  	_ =	shalt  }
0x6a: {  	_ =	shalt  }
0x6b: {  	_ =	shalt  }
0x6c: {  	_ =	shalt  }
0x6d: {  	_ =	shalt  }
0x6e: {  	_ =	shalt  }
0x6f: {  	_ =	shalt  }
0x70: {  	_ =	shalt  }
0x71: {  	_ =	shalt  }
0x72: {  	_ =	shalt  }
0x73: {  	_ =	shalt  }
0x74: {  	_ =	shalt  }
0x75: {  	_ =	shalt  }
0x76: {  	_ =	shalt  }
0x77: {  	_ =	shalt  }
0x78: {  	_ =	shalt  }
0x79: {  	_ =	shalt  }
0x7a: {  	_ =	shalt  }
0x7b: {  	_ =	shalt  }
0x7c: {  	_ =	shalt  }
0x7d: {  	_ =	shalt  }
0x7e: {  	_ =	shalt  }
0x7f: {  	_ =	shalt  }
0x80: {  	_ =	shalt  }
0x81: {  	_ =	shalt  }
0x82: {  	_ =	shalt  }
0x83: {  	_ =	shalt  }
0x84: {  	_ =	shalt  }
0x85: {  	_ =	shalt  }
0x86: {  	_ =	shalt  }
0x87: {  	_ =	shalt  }
.Lfunc_end0:
.L_simem_size_0:
called_computation.1_lowered:
.L_overlay_start_0:
0x88: {  	s2 =	sld [smem:$0x3FD9]  }
0x89: {  	s3 =	sld [smem:$0x3FFE];
	_ =	sdelay $0x1  }
0x8a: {  	s1 =	srdreg.scid  }
0x8b: {  	s0 =	sand.u32 $0x1, s1  }
0x8c: {  	s16 =	sshll.u32 s0, $0xA;
	s2 =	sadd.s32 s3, s2  }
0x8d: {  	s2 =	sadd.s32 s2, s16  }
0x8e: {  	[smem:$0x3FBE] =	sst s2  }
0x8f: {  	_ = 	snop  }
0x90: {  	(tm) =	ssettm $0x1  }
0x91: {  	s17 =	sld [smem:$0x3FFB];
	_ =	sdelay $0x3  }
0x92: {  	_ =	strace s17  }
0x93: {  	s2 =	sld [smem:$0x3FFC];
	_ =	sdelay $0x3  }
0x94: {  	_ =	strace s2  }
0x95: {  	s2 =	sld [smem:$0x3FFD];
	_ =	sdelay $0x3  }
0x96: {  	_ =	strace s2  }
0x97: {  	_ =	strace $0x8FFFFFFF  }
0x98: {  	s18 =	sld [smem:$0x3FDB];
	_ =	sdelay $0x1  }
0x99: {  	s19 =	simm.s32 $_scs_section_size  }
0x9a: {  	s4 =	simm.s32 $_size__tile_overlayer_lowered;
	s5 =	simm.s32 $_tile_overlayer_lowered  }
0x9b: {  	s22 =	simm.s32 $0x1BFF;
	s21 =	sshll.u32 s5, $0x1;
	s2 =	sadd.s32 s19, s18  }
0x9c: {  	s6 =	simm.s32 $0x0;
	s20 =	sshll.u32 s4, $0x1;
	s4 =	sadd.s32 s21, s2  }
0x9d: {  	[timem:s6], [sflag:s22] =	dma.local [hbm:s4], s20  }
0x9e: {  	_ =	swait.ge [sflag:s22], s20  }
0x9f: {  	s3 =	ssub.s32 $0x0, s20;
	[sflag:s22] =	ssyncset.done $0x0  }
0xa0: {  	[sflag:s22] =	ssyncadd.s32 s3;
	_ =	sdelay $0x1  }
0xa1: {  	s23 =	simm.s32 $0x1B8B  }
0xa2: {  	_ =	swait.ge [sflag:s23], $0x1  }
0xa3: {  	[sflag:s23] =	ssyncset.done $0x0  }
0xa4: {  	s25 =	simm.s32 $0x1B8E;
	s24 =	sld [smem:$0x3FFE];
	[sflag:s23] =	ssyncadd.s32 $0xFFFFFFFF  }
0xa5: {  	s26 =	simm.s32 $execute0_lowered;
	[smem:$0x3FD2] =	sst s25  }
0xa6: {  	s4 =	sshll.u32 s26, $0x1;
	_ =	strace $0x80000049;
	[dreg:$0x1] =	wrdreg $0xFFFFFFFF  }
0xa7: {  	s28 =	simm.s32 $_size_execute0_lowered;
	s2 =	sadd.s32 s2, s4;
	[dreg:$0x0] =	wrdreg $0x0  }
0xa8: {  	s4 =	sshll.u32 s28, $0x1;
	[dreg:$0x2] =	wrdreg s2  }
0xa9: {  	[dreg:$0x3] =	wrdreg s4  }
0xaa: {  	[dreg:$0x4] =	wrdreg $0xC0  }
0xab: {  	_ =	task [dreg:s6], $0x5FFFF  }
0xac: {  	[dreg:$0x1] =	wrdreg $0xFFFFFFFF  }
0xad: {  	[dreg:$0x0] =	wrdreg $0x60  }
0xae: {  	[dreg:$0x2] =	wrdreg s24  }
0xaf: {  	[dreg:$0x3] =	wrdreg $0x9F000  }
0xb0: {  	[dreg:$0x4] =	wrdreg $0x9  }
0xb1: {  	_ =	task.clear_ibuf [dreg:s6], $0x5FFFF;
	_ =	strace $0x90000049  }
0xb2: {  	s29 =	simm.s32 $0x9;
	_ =	strace $0x8000004B  }
0xb3: {  	_ =	swait.ge [sflag:s29], $0x1  }
0xb4: {  	[sflag:s29] =	ssyncadd.s32 $0xFFFFFFFF  }
0xb5: {  	_ =	strace $0x9000004B  }
0xb6: {  	_ =	sfence  }
0xb7: {  	s30 =	sld [smem:$0x0];
	_ =	sdelay $0x2  }
0xb8: {  	s31 =	sshll.u32 s1, $0xD;
	s1 =	sshrl.u32 s1, $0x2  }
0xb9: {  	s3 =	sand.u32 $0x4000, s31;
	s1 =	sadd.s32 s1, s30  }
0xba: {  	s0 =	sor.u32 s3, s0;
	s1 =	sshll.u32 s1, $0x11  }
0xbb: {  	s0 =	sor.u32 s1, s0  }
0xbc: {  	s0 =	sadd.s32 $0x8F2B, s0  }
0xbd: {  	[sflag:s0] =	ssyncadd.remote.s32 $0x1  }
0xbe: {  	_ =	sfence.sel $0xFFFF  }
0xbf: {  	[dreg:$0x0] =	wrdreg $0xFFFFFFFF;
	(pc) =	sbr.abs _section_cstart, $3  }
0xc0: {  	[dreg:$0x1] =	wrdreg $0xFFFFFFFF  }
0xc1: {  	_ =	task.clear_ibuf [dreg:s6], $0x2FFFF;
	_ =	strace $0x9FFFFFFF  }
0xc2: {  	(tm) =	ssettm $0x7FFFFFFF  }
0xc3: {  	_ =	shalt  }
tec
execute0_lowered:
.L_overlay_start_1:
0x0: {  	(tag) =	ssettag $0x1  }
0x1: {  	s1 =	srdreg.scid  }
0x2: {  	s0 =	stileid.u32;
	s6 =	rddreg [dreg:$0x0]  }
0x3: {  	s2 =	rddreg [dreg:$0x1];
	s3 =	simm.s32 $0x0;
	s14 =	simm.s32 $0x50  }
0x4: {  	s15 =	simm.s32 $0x4F00;
	s16 =	simm.s32 $0x7700;
	s17 =	simm.s32 $0x1  }
0x5: {  	s18 =	simm.s32 $0x2;
	s19 =	simm.s32 $0x3;
	s20 =	simm.s32 $0x4  }
0x6: {  	s21 =	simm.s32 $0x26C0;
	s22 =	simm.s32 $0x4E40;
	s23 =	simm.s32 $0x0  }
0x7: {  	s5 =	sand.u32 $0x1, s1;
	s29 =	sshll.u32 s0, $0x1;
	s9 =	smul.u32 $0x14000, s0  }
0x8: {  	[smem:$0x7FF] =	sst s3;
	s4 =	sadd.s32 $0x18A00, s6;
	s11 =	smul.u32 $0x50000, s0  }
0x9: {  	s12 =	sshll.u32 s0, $0x6;
	s1 =	sor.u32 s5, s29;
	s8 =	smul.u32 $0x140000, s5  }
0xa: {  	s30 =	ssub.s32 $0x2, s5;
	s5 =	sadd.s32 $0x16200, s6;
	s12 =	sor.u32 $0x1C05, s12  }
0xb: {  	s7 =	smul.u32 $0x4E2, s1;
	s1 =	rddreg [dreg:$0x2];
	_ =	strace $0x8000004A  }
0xc: {  	s10 =	sshrl.u32 s30, $0x1;
	s31 =	sshrl.u32 s11, $0x2;
	s11 =	simm.s32 $0x2780  }
0xd: {  	s8 =	sadd.s32 s9, s8;
	s9 =	ssub.s32 s30, s10;
	s13 =	sadd.s32 s31, s2  }
0xe: {  	s10 =	simm.s32 $0x5;
	s7 =	sadd.s32 s7, s6;
	s8 =	sshrl.u32 s8, $0x3  }
0xf: {  	s9 =	smax.u32 s9, $0x1;
	s13 =	sshrl.u32 s13, $0x3;
	s8 =	sadd.s32 s8, s6  }
0x10: {  	s6 =	sadd.s32 $0x2600, s7;
	s7 =	sadd.s32 $0xC400, s7;
	s8 =	sadd.s32 $0x3FC00, s8  }
.LBB2_1:
0x11: {  	[tilespmem:s3], [sflag:$0x5] =	stream.linear.gather [hbm4b:s6+s3], $0x2710, $0x38;
	[tilespmem:$0x1DF00] =	vst v63  }
0x12: {  	_ =	swait.ge [sflag:s10], $0x2710  }
0x13: {  	[sflag:s10] =	ssyncset.done $0x0  }
0x14: {  	[sflag:s10] =	ssyncadd.s32 $0xFFFFD8F0  }
0x15: {  	[tilespmem:s11], [sflag:$0x5] =	stream.linear.gather [hbm4b:s7+s3], $0x2710, $0x38;
	[tilespmem:$0x1DF00] =	vst v63  }
0x16: {  	_ =	swait.ge [sflag:s10], $0x2710  }
0x17: {  	[sflag:s10] =	ssyncset.done $0x0  }
0x18: {  	[sflag:s10] =	ssyncadd.s32 $0xFFFFD8F0  }
0x19: {  	[spmem:s13], [sflag:s12] =	dma.local [hbm:s5], $0x2800  }
0x1a: {  	_ =	swait.ge [sflag:s10], $0x2800  }
0x1b: {  	[sflag:s10] =	ssyncset.done $0x0  }
0x1c: {  	[sflag:s10] =	ssyncadd.s32 $0xFFFFD800  }
0x1d: {  	s24 =	simm.s32 $0x0;
	[bflag:$0x0] =	sbarrier.arrive $0xFFFF  }
0x1e: {  	[tilespmem:s15], [sflag:$0x1] =	stream.indirect.gather [hbm4b:s4+s14], $0x80, s24, s14, $0xb8;
	[tilespmem:$0x1DF00] =	vst v63  }
0x1f: {  	s29 =	simm.s32 $0x50  }
0x20: {  	[tilespmem:s16], [sflag:$0x2] =	stream.indirect.gather [hbm4b:s4+s14], $0x80, s29, s14, $0xb8;
	[tilespmem:$0x1DF00] =	vst v63  }
0x21: {  	_ =	swait.ge [sflag:s17], $0x2800  }
0x22: {  	[sflag:s17] =	ssyncset.done $0x0  }
0x23: {  	s30 =	simm.s32 $0x2780;
	[sflag:s17] =	ssyncadd.s32 $0xFFFFD800  }
0x24: {  	[spmem:s2] =	stream.indirect.scatter.add.f32 [tilespmem:s15], [sflag:$0x3], $0x80, s30, s14, $0xb8;
	[tilespmem:$0x1DF00] =	vst v63  }
0x25: {  	_ =	swait.ge [sflag:s18], $0x2800  }
0x26: {  	[sflag:s18] =	ssyncset.done $0x0  }
0x27: {  	s31 =	simm.s32 $0x27D0;
	[sflag:s18] =	ssyncadd.s32 $0xFFFFD800  }
0x28: {  	[spmem:s2] =	stream.indirect.scatter.add.f32 [tilespmem:s16], [sflag:$0x4], $0x80, s31, s14, $0xb8;
	[tilespmem:$0x1DF00] =	vst v63  }
0x29: {  	_ =	swait.ge [sflag:s19], $0x2800  }
0x2a: {  	[sflag:s19] =	ssyncset.done $0x0  }
0x2b: {  	[sflag:s19] =	ssyncadd.s32 $0xFFFFD800  }
0x2c: {  	_ =	swait.ge [sflag:s20], $0x2800  }
0x2d: {  	s25 =	simm.s32 $0x500;
	s24 =	simm.s32 $0x280;
	[sflag:s20] =	ssyncset.done $0x0  }
.LBB2_2:
0x2e: {  	s26 =	sshra.s32 s24, $0x2  }
0x2f: {  	[sflag:s20] =	ssyncadd.s32 $0xFFFFD800;
	s24 =	smov.u32 s25;
	s28 =	sadd.s32 $0x280, s25  }
0x30: {  	[tilespmem:s15], [sflag:$0x1] =	stream.indirect.gather [hbm4b:s4+s14], $0x80, s26, s14, $0xb8;
	[tilespmem:$0x1DF00] =	vst v63  }
0x31: {  	p0 =	sne.s32 s25, $0x9880;
	s25 =	sadd.s32 $0x50, s26  }
0x32: {  	[tilespmem:s16], [sflag:$0x2] =	stream.indirect.gather [hbm4b:s4+s14], $0x80, s25, s14, $0xb8;
	[tilespmem:$0x1DF00] =	vst v63  }
0x33: {  	_ =	swait.ge [sflag:s17], $0x2800  }
0x34: {  	[sflag:s17] =	ssyncset.done $0x0  }
0x35: {  	s25 =	sadd.s32 $0x2780, s26;
	[sflag:s17] =	ssyncadd.s32 $0xFFFFD800  }
0x36: {  	[spmem:s2] =	stream.indirect.scatter.add.f32 [tilespmem:s15], [sflag:$0x3], $0x80, s25, s14, $0xb8;
	[tilespmem:$0x1DF00] =	vst v63  }
0x37: {  	_ =	swait.ge [sflag:s18], $0x2800  }
0x38: {  	[sflag:s18] =	ssyncset.done $0x0  }
0x39: {  	s25 =	sadd.s32 $0x27D0, s26;
	[sflag:s18] =	ssyncadd.s32 $0xFFFFD800  }
0x3a: {  	[spmem:s2] =	stream.indirect.scatter.add.f32 [tilespmem:s16], [sflag:$0x4], $0x80, s25, s14, $0xb8;
	[tilespmem:$0x1DF00] =	vst v63  }
.Ltmp0:
0x3b: {  	_ =	swait.ge [sflag:s19], $0x2800;
	(pc) =	sbr.rel @p0 .LBB2_2-.Ltmp0, $4  }
0x3c: {  	[sflag:s19] =	ssyncset.done $0x0  }
0x3d: {  	[sflag:s19] =	ssyncadd.s32 $0xFFFFD800  }
0x3e: {  	_ =	swait.ge [sflag:s20], $0x2800  }
0x3f: {  	s25 =	smov.u32 s28;
	[sflag:s20] =	ssyncset.done $0x0  }
0x40: {  	s24 =	sshra.s32 s24, $0x2;
	[sflag:s20] =	ssyncadd.s32 $0xFFFFD800  }
0x41: {  	[tilespmem:s15], [sflag:$0x1] =	stream.indirect.gather [hbm4b:s4+s14], $0x80, s24, s14, $0xb8;
	[tilespmem:$0x1DF00] =	vst v63  }
0x42: {  	s25 =	sadd.s32 $0x50, s24  }
0x43: {  	[tilespmem:s16], [sflag:$0x2] =	stream.indirect.gather [hbm4b:s4+s14], $0x80, s25, s14, $0xb8;
	[tilespmem:$0x1DF00] =	vst v63  }
0x44: {  	_ =	swait.ge [sflag:s17], $0x2800  }
0x45: {  	[sflag:s17] =	ssyncset.done $0x0  }
0x46: {  	s31 =	sadd.s32 $0x2780, s24;
	[sflag:s17] =	ssyncadd.s32 $0xFFFFD800  }
0x47: {  	[spmem:s2] =	stream.indirect.scatter.add.f32 [tilespmem:s15], [sflag:$0x3], $0x80, s31, s14, $0xb8;
	[tilespmem:$0x1DF00] =	vst v63  }
0x48: {  	_ =	swait.ge [sflag:s18], $0x2800  }
0x49: {  	[sflag:s18] =	ssyncset.done $0x0  }
0x4a: {  	s24 =	sadd.s32 $0x27D0, s24;
	[sflag:s18] =	ssyncadd.s32 $0xFFFFD800  }
0x4b: {  	[spmem:s2] =	stream.indirect.scatter.add.f32 [tilespmem:s16], [sflag:$0x4], $0x80, s24, s14, $0xb8;
	[tilespmem:$0x1DF00] =	vst v63  }
0x4c: {  	_ =	swait.ge [sflag:s19], $0x2800  }
0x4d: {  	[sflag:s19] =	ssyncset.done $0x0  }
0x4e: {  	[sflag:s19] =	ssyncadd.s32 $0xFFFFD800  }
0x4f: {  	_ =	swait.ge [sflag:s20], $0x2800  }
0x50: {  	[sflag:s20] =	ssyncset.done $0x0  }
0x51: {  	[sflag:s20] =	ssyncadd.s32 $0xFFFFD800  }
0x52: {  	[tilespmem:s15], [sflag:$0x1] =	stream.indirect.gather [hbm4b:s4+s14], $0x80, s21, s14, $0xb8;
	[tilespmem:$0x1DF00] =	vst v63  }
0x53: {  	_ =	swait.ge [sflag:s17], $0x2800  }
0x54: {  	[sflag:s17] =	ssyncset.done $0x0  }
0x55: {  	[sflag:s17] =	ssyncadd.s32 $0xFFFFD800  }
0x56: {  	[spmem:s2] =	stream.indirect.scatter.add.f32 [tilespmem:s15], [sflag:$0x5], $0x80, s22, s14, $0xb8;
	[tilespmem:$0x1DF00] =	vst v63  }
0x57: {  	_ =	swait.ge [sflag:s10], $0x2800  }
0x58: {  	s23 =	sadd.s32 $0x1, s23;
	[sflag:s10] =	ssyncset.done $0x0  }
0x59: {  	p0 =	sne.s32 s23, s9;
	[sflag:s10] =	ssyncadd.s32 $0xFFFFD800  }
.Ltmp1:
0x5a: {  	[bflag:$0x0] =	sbarrier.arrive $0xFFFF;
	(pc) =	sbr.rel @p0 .LBB2_1-.Ltmp1, $4  }
0x5b: {  	[hbm:s8], [sflag:s12] =	dma.local [spmem:s13], $0x2800  }
0x5c: {  	_ =	swait.ge [sflag:s10], $0x2800  }
0x5d: {  	[sflag:s10] =	ssyncset.done $0x0  }
0x5e: {  	[sflag:s10] =	ssyncadd.s32 $0xFFFFD800  }
0x5f: {  	_ =	sfence.sel $0x180000  }
0x60: {  	[bflag:$0x0] =	sbarrier.arrive $0xFFFF  }
0x61: {  	p0 =	sne.s32 s0, $0x0;
	_ =	strace $0x9000004A  }
0x62: {  	s0 =	sadd.s32 @!p0 $0x100000, s1;
	[bflag:$0x2] =	sbarrier.arrive $0xFFFF  }
0x63: {  	[sflag:s0] =	ssyncadd.tile.s32 @!p0 $0x1;
	_ =	shalt  }
.Lfunc_end2:
_tile_overlayer_lowered:
.L_overlay_start_2:
0x64: {  	(tag) =	ssettag $0x2  }
0x65: {  	s0 =	rddreg [dreg:$0x0];
	s2 =	stileid.u32  }
0x66: {  	s1 =	rddreg [dreg:$0x1];
	p0 =	sne.s32 s2, $0x0  }
0x67: {  	s3 =	rddreg [dreg:$0x2];
	[bflag:$0x3] =	sbarrier.arrive $0xFFFF;
	s2 =	simm.s32 @!p0 $0x1C05  }
0x68: {  	[timem:s3], [sflag:s2] =	dma.local @!p0 [hbm:s0], s1  }
0x69: {  	s0 =	simm.s32 @!p0 $0x5  }
0x6a: {  	_ =	swait.ge @!p0 [sflag:s0], s1  }
0x6b: {  	s1 =	ssub.s32 @!p0 $0x0, s1;
	[sflag:s0] =	ssyncset.done @!p0 $0x0  }
0x6c: {  	[sflag:s0] =	ssyncadd.s32 @!p0 s1  }
0x6d: {  	[bflag:$0x3] =	sbarrier.arrive $0xFFFF  }
0x6e: {  	_ =	shalt  }

// kernel: kernel.14.cloned.1.call-start
scs
__scs_entry_jumppad:
0x0: {  	(pc) =	sbr.rel $0x88, $3  }
0x1: {  	(tag) =	ssettag $0x0;
	lr =	simm.s32 $0x1  }
0x2: {  	[smem:$0x3F97] =	sst lr;
	_ =	strace $0xD0000000  }
0x3: {  	_ = 	snop  }
0x4: {  	_ = 	snop  }
0x5: {  	_ = 	snop  }
0x6: {  	_ = 	snop  }
0x7: {  	_ = 	snop  }
__scs_overlays_trampoline_lowered:
0x8: {  	[smem:$0x3FA6] =	sst s0  }
0x9: {  	[smem:$0x3FA7] =	sst s1  }
0xa: {  	[smem:$0x3FA8] =	sst s2  }
0xb: {  	[smem:$0x3FA9] =	sst s3  }
0xc: {  	[smem:$0x3FAA] =	sst s4  }
0xd: {  	[smem:$0x3FAB] =	sst s5  }
0xe: {  	[smem:$0x3FAC] =	sst s6  }
0xf: {  	[smem:$0x3FAD] =	sst s7  }
0x10: {  	[smem:$0x3FAE] =	sst s8  }
0x11: {  	[smem:$0x3FAF] =	sst s9;
	s0 =	simm.s32 @!p0 $0x0  }
0x12: {  	s1 =	sld [smem:$0x3F95];
	s0 =	simm.s32 @p0 $0x1  }
0x13: {  	[smem:$0x3FB0] =	sst s0;
	s0 =	simm.s32 @!p1 $0x0  }
0x14: {  	s2 =	sld [smem:$0x3F94];
	s0 =	simm.s32 @p1 $0x1  }
0x15: {  	[smem:$0x3FB1] =	sst s0;
	s0 =	simm.s32 @!p2 $0x0  }
0x16: {  	s3 =	sld [smem:$0x3FDB];
	s0 =	simm.s32 @p2 $0x1  }
0x17: {  	s4 =	simm.s32 $0x1BF5;
	[smem:$0x3FB3] =	sst s0  }
0x18: {  	s0 =	sld [smem:$0x3F96];
	_ =	swait.ge [sflag:s4], $0x0  }
0x19: {  	s7 =	sld [smem:$0x3F97]  }
0x1a: {  	s8 =	sadd.s32 $0xFFFFE003, lr  }
0x1b: {  	s9 =	sadd.s32 $0xFFFFFEF7, lr;
	s5 =	simm.s32 $0xFFFFFFFF;
	p2 =	slt.u32 s8, $0xFFFFF086  }
0x1c: {  	p1 =	slt.u32 s9, $0xF7A;
	s5 =	simm.s32 @!p2 $0x0  }
0x1d: {  	s5 =	simm.s32 @p1 $0x1;
	p0 =	seq.s32 s7, s2  }
0x1e: {  	s7 =	smul.u32 @!p0 $0xF7A, s2;
	p2 =	seq.s32 @!p0 s5, $0x0  }
0x1f: {  	s9 =	smul.u32 $0xF7A, s1;
	s8 =	simm.s32 @!p0 $0x1BF5;
	p2 =	por !p2, p0  }
0x20: {  	[sflag:s8] =	ssyncset.s32 @!p0 $0xFFFFF086;
	s6 =	sadd.s32 @!p0 s3, s7;
	s7 =	simm.s32 @!p0 $0x108  }
0x21: {  	s3 =	sadd.s32 s3, s9;
	s6 =	sadd.s32 @!p0 $0x88, s6;
	s7 =	simm.s32 @p2 $0x1082  }
0x22: {  	[simem:s7], [sflag:s8] =	dma.local @!p0 [hbm:s6], $0xF7A  }
0x23: {  	s9 =	sor.u32 $0xD0000000, s2;
	s6 =	simm.s32 $0x108;
	_ =	swait.ge @!p0 [sflag:s8], $0x0  }
0x24: {  	s3 =	sadd.s32 $0x88, s3;
	s6 =	simm.s32 @!p1 $0x1082;
	[sflag:s4] =	ssyncset.s32 $0xFFFFF086  }
0x25: {  	[simem:s6], [sflag:s4] =	dma.local [hbm:s3], $0xF7A  }
0x26: {  	[smem:$0x3F97] =	sst s1;
	(tag) =	ssettag s2;
	_ =	strace s9  }
0x27: {  	s1 =	sld [smem:$0x3FA7]  }
0x28: {  	s2 =	sld [smem:$0x3FA8]  }
0x29: {  	s4 =	sld [smem:$0x3FAA]  }
0x2a: {  	p0 =	seq.s32 s5, $0x0;
	s5 =	sld [smem:$0x3FAB]  }
0x2b: {  	s6 =	sld [smem:$0x3FAC]  }
0x2c: {  	s7 =	sld [smem:$0x3FAD]  }
0x2d: {  	s3 =	simm.s32 $0x108;
	s8 =	sld [smem:$0x3FAE]  }
0x2e: {  	s3 =	simm.s32 @!p0 $0x1082;
	s9 =	sld [smem:$0x3FAF]  }
0x2f: {  	lr =	sadd.s32 s0, s3;
	s0 =	sld [smem:$0x3FA6]  }
0x30: {  	s3 =	sld [smem:$0x3FA9]  }
0x31: {  	[smem:$0x3FB2] =	sst s10  }
0x32: {  	s10 =	sld [smem:$0x3FB0];
	_ =	sdelay $0x3  }
0x33: {  	p0 =	seq.s32 s10, $0x1;
	s10 =	sld [smem:$0x3FB2];
	_ =	sdelay $0x3  }
0x34: {  	[smem:$0x3FB2] =	sst s10  }
0x35: {  	s10 =	sld [smem:$0x3FB1];
	_ =	sdelay $0x3  }
0x36: {  	p1 =	seq.s32 s10, $0x1;
	s10 =	sld [smem:$0x3FB2];
	_ =	sdelay $0x3  }
0x37: {  	[smem:$0x3FB2] =	sst s10  }
0x38: {  	s10 =	sld [smem:$0x3FB3]  }
0x39: {  	_ = 	snop;
	(pc) =	sbr.ind lr, $3  }
0x3a: {  	_ = 	snop  }
0x3b: {  	_ = 	snop  }
0x3c: {  	p2 =	seq.s32 s10, $0x1;
	s10 =	sld [smem:$0x3FB2]  }
0x3d: {  	_ =	shalt  }
0x3e: {  	_ =	shalt  }
0x3f: {  	_ =	shalt  }
0x40: {  	_ =	shalt  }
0x41: {  	_ =	shalt  }
0x42: {  	_ =	shalt  }
0x43: {  	_ =	shalt  }
0x44: {  	_ =	shalt  }
0x45: {  	_ =	shalt  }
0x46: {  	_ =	shalt  }
0x47: {  	_ =	shalt  }
0x48: {  	_ =	shalt  }
0x49: {  	_ =	shalt  }
0x4a: {  	_ =	shalt  }
0x4b: {  	_ =	shalt  }
0x4c: {  	_ =	shalt  }
0x4d: {  	_ =	shalt  }
0x4e: {  	_ =	shalt  }
0x4f: {  	_ =	shalt  }
0x50: {  	_ =	shalt  }
0x51: {  	_ =	shalt  }
0x52: {  	_ =	shalt  }
0x53: {  	_ =	shalt  }
0x54: {  	_ =	shalt  }
0x55: {  	_ =	shalt  }
0x56: {  	_ =	shalt  }
0x57: {  	_ =	shalt  }
0x58: {  	_ =	shalt  }
0x59: {  	_ =	shalt  }
0x5a: {  	_ =	shalt  }
0x5b: {  	_ =	shalt  }
0x5c: {  	_ =	shalt  }
0x5d: {  	_ =	shalt  }
0x5e: {  	_ =	shalt  }
0x5f: {  	_ =	shalt  }
0x60: {  	_ =	shalt  }
0x61: {  	_ =	shalt  }
0x62: {  	_ =	shalt  }
0x63: {  	_ =	shalt  }
0x64: {  	_ =	shalt  }
0x65: {  	_ =	shalt  }
0x66: {  	_ =	shalt  }
0x67: {  	_ =	shalt  }
0x68: {  	_ =	shalt  }
0x69: {  	_ =	shalt  }
0x6a: {  	_ =	shalt  }
0x6b: {  	_ =	shalt  }
0x6c: {  	_ =	shalt  }
0x6d: {  	_ =	shalt  }
0x6e: {  	_ =	shalt  }
0x6f: {  	_ =	shalt  }
0x70: {  	_ =	shalt  }
0x71: {  	_ =	shalt  }
0x72: {  	_ =	shalt  }
0x73: {  	_ =	shalt  }
0x74: {  	_ =	shalt  }
0x75: {  	_ =	shalt  }
0x76: {  	_ =	shalt  }
0x77: {  	_ =	shalt  }
0x78: {  	_ =	shalt  }
0x79: {  	_ =	shalt  }
0x7a: {  	_ =	shalt  }
0x7b: {  	_ =	shalt  }
0x7c: {  	_ =	shalt  }
0x7d: {  	_ =	shalt  }
0x7e: {  	_ =	shalt  }
0x7f: {  	_ =	shalt  }
0x80: {  	_ =	shalt  }
0x81: {  	_ =	shalt  }
0x82: {  	_ =	shalt  }
0x83: {  	_ =	shalt  }
0x84: {  	_ =	shalt  }
0x85: {  	_ =	shalt  }
0x86: {  	_ =	shalt  }
0x87: {  	_ =	shalt  }
.Lfunc_end0:
.L_simem_size_0:
called_computation.2_lowered:
.L_overlay_start_0:
0x88: {  	s2 =	sld [smem:$0x3FD9]  }
0x89: {  	s3 =	sld [smem:$0x3FFE];
	_ =	sdelay $0x1  }
0x8a: {  	s1 =	srdreg.scid  }
0x8b: {  	s0 =	sand.u32 $0x1, s1  }
0x8c: {  	s16 =	sshll.u32 s0, $0xA;
	s2 =	sadd.s32 s3, s2  }
0x8d: {  	s2 =	sadd.s32 s2, s16  }
0x8e: {  	[smem:$0x3FBE] =	sst s2  }
0x8f: {  	_ = 	snop  }
0x90: {  	(tm) =	ssettm $0x1  }
0x91: {  	s17 =	sld [smem:$0x3FFB];
	_ =	sdelay $0x3  }
0x92: {  	_ =	strace s17  }
0x93: {  	s2 =	sld [smem:$0x3FFC];
	_ =	sdelay $0x3  }
0x94: {  	_ =	strace s2  }
0x95: {  	s2 =	sld [smem:$0x3FFD];
	_ =	sdelay $0x3  }
0x96: {  	_ =	strace s2  }
0x97: {  	_ =	strace $0x8FFFFFFF  }
0x98: {  	s18 =	sld [smem:$0x3FDB];
	_ =	sdelay $0x1  }
0x99: {  	s19 =	simm.s32 $_scs_section_size  }
0x9a: {  	s4 =	simm.s32 $_size__tile_overlayer_lowered;
	s5 =	simm.s32 $_tile_overlayer_lowered  }
0x9b: {  	s22 =	simm.s32 $0x1BFF;
	s21 =	sshll.u32 s5, $0x1;
	s2 =	sadd.s32 s19, s18  }
0x9c: {  	s6 =	simm.s32 $0x0;
	s20 =	sshll.u32 s4, $0x1;
	s4 =	sadd.s32 s21, s2  }
0x9d: {  	[timem:s6], [sflag:s22] =	dma.local [hbm:s4], s20  }
0x9e: {  	_ =	swait.ge [sflag:s22], s20  }
0x9f: {  	s3 =	ssub.s32 $0x0, s20;
	[sflag:s22] =	ssyncset.done $0x0  }
0xa0: {  	[sflag:s22] =	ssyncadd.s32 s3;
	_ =	sdelay $0x1  }
0xa1: {  	s23 =	simm.s32 $0x1B8B  }
0xa2: {  	_ =	swait.ge [sflag:s23], $0x1  }
0xa3: {  	[sflag:s23] =	ssyncset.done $0x0  }
0xa4: {  	s25 =	simm.s32 $0x1B8E;
	s24 =	sld [smem:$0x3FFE];
	[sflag:s23] =	ssyncadd.s32 $0xFFFFFFFF  }
0xa5: {  	s26 =	simm.s32 $execute0_lowered;
	[smem:$0x3FD2] =	sst s25  }
0xa6: {  	s4 =	sshll.u32 s26, $0x1;
	_ =	strace $0x8000004C;
	[dreg:$0x1] =	wrdreg $0xFFFFFFFF  }
0xa7: {  	s28 =	simm.s32 $_size_execute0_lowered;
	s2 =	sadd.s32 s2, s4;
	[dreg:$0x0] =	wrdreg $0x0  }
0xa8: {  	s4 =	sshll.u32 s28, $0x1;
	[dreg:$0x2] =	wrdreg s2  }
0xa9: {  	[dreg:$0x3] =	wrdreg s4  }
0xaa: {  	[dreg:$0x4] =	wrdreg $0xC0  }
0xab: {  	_ =	task [dreg:s6], $0x5FFFF  }
0xac: {  	[dreg:$0x1] =	wrdreg $0xFFFFFFFF  }
0xad: {  	[dreg:$0x0] =	wrdreg $0x60  }
0xae: {  	[dreg:$0x2] =	wrdreg s24  }
0xaf: {  	[dreg:$0x3] =	wrdreg $0x9F000  }
0xb0: {  	[dreg:$0x4] =	wrdreg $0x9  }
0xb1: {  	_ =	task.clear_ibuf [dreg:s6], $0x5FFFF;
	_ =	strace $0x9000004C  }
0xb2: {  	s29 =	simm.s32 $0x9;
	_ =	strace $0x8000004E  }
0xb3: {  	_ =	swait.ge [sflag:s29], $0x1  }
0xb4: {  	[sflag:s29] =	ssyncadd.s32 $0xFFFFFFFF  }
0xb5: {  	_ =	strace $0x9000004E  }
0xb6: {  	_ =	sfence  }
0xb7: {  	s30 =	sld [smem:$0x0];
	_ =	sdelay $0x2  }
0xb8: {  	s31 =	sshll.u32 s1, $0xD;
	s1 =	sshrl.u32 s1, $0x2  }
0xb9: {  	s3 =	sand.u32 $0x4000, s31;
	s1 =	sadd.s32 s1, s30  }
0xba: {  	s0 =	sor.u32 s3, s0;
	s1 =	sshll.u32 s1, $0x11  }
0xbb: {  	s0 =	sor.u32 s1, s0  }
0xbc: {  	s0 =	sadd.s32 $0x8F2B, s0  }
0xbd: {  	[sflag:s0] =	ssyncadd.remote.s32 $0x1  }
0xbe: {  	_ =	sfence.sel $0xFFFF  }
0xbf: {  	[dreg:$0x0] =	wrdreg $0xFFFFFFFF;
	(pc) =	sbr.abs _section_cstart, $3  }
0xc0: {  	[dreg:$0x1] =	wrdreg $0xFFFFFFFF  }
0xc1: {  	_ =	task.clear_ibuf [dreg:s6], $0x2FFFF;
	_ =	strace $0x9FFFFFFF  }
0xc2: {  	(tm) =	ssettm $0x7FFFFFFF  }
0xc3: {  	_ =	shalt  }
tec
execute0_lowered:
.L_overlay_start_1:
0x0: {  	(tag) =	ssettag $0x1  }
0x1: {  	s1 =	srdreg.scid  }
0x2: {  	s0 =	stileid.u32;
	s6 =	rddreg [dreg:$0x0]  }
0x3: {  	s2 =	rddreg [dreg:$0x1];
	s3 =	simm.s32 $0x0;
	s14 =	simm.s32 $0x50  }
0x4: {  	s15 =	simm.s32 $0x4F00;
	s16 =	simm.s32 $0x7700;
	s17 =	simm.s32 $0x1  }
0x5: {  	s18 =	simm.s32 $0x2;
	s19 =	simm.s32 $0x3;
	s20 =	simm.s32 $0x4  }
0x6: {  	s21 =	simm.s32 $0x26C0;
	s22 =	simm.s32 $0x4E40;
	s23 =	simm.s32 $0x0  }
0x7: {  	s5 =	sand.u32 $0x1, s1;
	s29 =	sshll.u32 s0, $0x1;
	s9 =	smul.u32 $0x14000, s0  }
0x8: {  	[smem:$0x7FF] =	sst s3;
	s4 =	sadd.s32 $0x18A00, s6;
	s11 =	smul.u32 $0x50000, s0  }
0x9: {  	s12 =	sshll.u32 s0, $0x6;
	s1 =	sor.u32 s5, s29;
	s8 =	smul.u32 $0x140000, s5  }
0xa: {  	s30 =	ssub.s32 $0x2, s5;
	s5 =	sadd.s32 $0x16200, s6;
	s12 =	sor.u32 $0x1C05, s12  }
0xb: {  	s7 =	smul.u32 $0x4E2, s1;
	s1 =	rddreg [dreg:$0x2];
	_ =	strace $0x8000004D  }
0xc: {  	s10 =	sshrl.u32 s30, $0x1;
	s31 =	sshrl.u32 s11, $0x2;
	s11 =	simm.s32 $0x2780  }
0xd: {  	s8 =	sadd.s32 s9, s8;
	s9 =	ssub.s32 s30, s10;
	s13 =	sadd.s32 s31, s2  }
0xe: {  	s10 =	simm.s32 $0x5;
	s7 =	sadd.s32 s7, s6;
	s8 =	sshrl.u32 s8, $0x3  }
0xf: {  	s9 =	smax.u32 s9, $0x1;
	s13 =	sshrl.u32 s13, $0x3;
	s8 =	sadd.s32 s8, s6  }
0x10: {  	s6 =	sadd.s32 $0x2600, s7;
	s7 =	sadd.s32 $0xC400, s7;
	s8 =	sadd.s32 $0x3FC00, s8  }
.LBB2_1:
0x11: {  	[tilespmem:s3], [sflag:$0x5] =	stream.linear.gather [hbm4b:s6+s3], $0x2710, $0x38;
	[tilespmem:$0x1DF00] =	vst v63  }
0x12: {  	_ =	swait.ge [sflag:s10], $0x2710  }
0x13: {  	[sflag:s10] =	ssyncset.done $0x0  }
0x14: {  	[sflag:s10] =	ssyncadd.s32 $0xFFFFD8F0  }
0x15: {  	[tilespmem:s11], [sflag:$0x5] =	stream.linear.gather [hbm4b:s7+s3], $0x2710, $0x38;
	[tilespmem:$0x1DF00] =	vst v63  }
0x16: {  	_ =	swait.ge [sflag:s10], $0x2710  }
0x17: {  	[sflag:s10] =	ssyncset.done $0x0  }
0x18: {  	[sflag:s10] =	ssyncadd.s32 $0xFFFFD8F0  }
0x19: {  	[spmem:s13], [sflag:s12] =	dma.local [hbm:s5], $0x2800  }
0x1a: {  	_ =	swait.ge [sflag:s10], $0x2800  }
0x1b: {  	[sflag:s10] =	ssyncset.done $0x0  }
0x1c: {  	[sflag:s10] =	ssyncadd.s32 $0xFFFFD800  }
0x1d: {  	s24 =	simm.s32 $0x0;
	[bflag:$0x0] =	sbarrier.arrive $0xFFFF  }
0x1e: {  	[tilespmem:s15], [sflag:$0x1] =	stream.indirect.gather [hbm4b:s4+s14], $0x80, s24, s14, $0xb8;
	[tilespmem:$0x1DF00] =	vst v63  }
0x1f: {  	s29 =	simm.s32 $0x50  }
0x20: {  	[tilespmem:s16], [sflag:$0x2] =	stream.indirect.gather [hbm4b:s4+s14], $0x80, s29, s14, $0xb8;
	[tilespmem:$0x1DF00] =	vst v63  }
0x21: {  	_ =	swait.ge [sflag:s17], $0x2800  }
0x22: {  	[sflag:s17] =	ssyncset.done $0x0  }
0x23: {  	s30 =	simm.s32 $0x2780;
	[sflag:s17] =	ssyncadd.s32 $0xFFFFD800  }
0x24: {  	[spmem:s2] =	stream.indirect.scatter.add.f32 [tilespmem:s15], [sflag:$0x3], $0x80, s30, s14, $0xb8;
	[tilespmem:$0x1DF00] =	vst v63  }
0x25: {  	_ =	swait.ge [sflag:s18], $0x2800  }
0x26: {  	[sflag:s18] =	ssyncset.done $0x0  }
0x27: {  	s31 =	simm.s32 $0x27D0;
	[sflag:s18] =	ssyncadd.s32 $0xFFFFD800  }
0x28: {  	[spmem:s2] =	stream.indirect.scatter.add.f32 [tilespmem:s16], [sflag:$0x4], $0x80, s31, s14, $0xb8;
	[tilespmem:$0x1DF00] =	vst v63  }
0x29: {  	_ =	swait.ge [sflag:s19], $0x2800  }
0x2a: {  	[sflag:s19] =	ssyncset.done $0x0  }
0x2b: {  	[sflag:s19] =	ssyncadd.s32 $0xFFFFD800  }
0x2c: {  	_ =	swait.ge [sflag:s20], $0x2800  }
0x2d: {  	s25 =	simm.s32 $0x500;
	s24 =	simm.s32 $0x280;
	[sflag:s20] =	ssyncset.done $0x0  }
.LBB2_2:
0x2e: {  	s26 =	sshra.s32 s24, $0x2  }
0x2f: {  	[sflag:s20] =	ssyncadd.s32 $0xFFFFD800;
	s24 =	smov.u32 s25;
	s28 =	sadd.s32 $0x280, s25  }
0x30: {  	[tilespmem:s15], [sflag:$0x1] =	stream.indirect.gather [hbm4b:s4+s14], $0x80, s26, s14, $0xb8;
	[tilespmem:$0x1DF00] =	vst v63  }
0x31: {  	p0 =	sne.s32 s25, $0x9880;
	s25 =	sadd.s32 $0x50, s26  }
0x32: {  	[tilespmem:s16], [sflag:$0x2] =	stream.indirect.gather [hbm4b:s4+s14], $0x80, s25, s14, $0xb8;
	[tilespmem:$0x1DF00] =	vst v63  }
0x33: {  	_ =	swait.ge [sflag:s17], $0x2800  }
0x34: {  	[sflag:s17] =	ssyncset.done $0x0  }
0x35: {  	s25 =	sadd.s32 $0x2780, s26;
	[sflag:s17] =	ssyncadd.s32 $0xFFFFD800  }
0x36: {  	[spmem:s2] =	stream.indirect.scatter.add.f32 [tilespmem:s15], [sflag:$0x3], $0x80, s25, s14, $0xb8;
	[tilespmem:$0x1DF00] =	vst v63  }
0x37: {  	_ =	swait.ge [sflag:s18], $0x2800  }
0x38: {  	[sflag:s18] =	ssyncset.done $0x0  }
0x39: {  	s25 =	sadd.s32 $0x27D0, s26;
	[sflag:s18] =	ssyncadd.s32 $0xFFFFD800  }
0x3a: {  	[spmem:s2] =	stream.indirect.scatter.add.f32 [tilespmem:s16], [sflag:$0x4], $0x80, s25, s14, $0xb8;
	[tilespmem:$0x1DF00] =	vst v63  }
.Ltmp0:
0x3b: {  	_ =	swait.ge [sflag:s19], $0x2800;
	(pc) =	sbr.rel @p0 .LBB2_2-.Ltmp0, $4  }
0x3c: {  	[sflag:s19] =	ssyncset.done $0x0  }
0x3d: {  	[sflag:s19] =	ssyncadd.s32 $0xFFFFD800  }
0x3e: {  	_ =	swait.ge [sflag:s20], $0x2800  }
0x3f: {  	s25 =	smov.u32 s28;
	[sflag:s20] =	ssyncset.done $0x0  }
0x40: {  	s24 =	sshra.s32 s24, $0x2;
	[sflag:s20] =	ssyncadd.s32 $0xFFFFD800  }
0x41: {  	[tilespmem:s15], [sflag:$0x1] =	stream.indirect.gather [hbm4b:s4+s14], $0x80, s24, s14, $0xb8;
	[tilespmem:$0x1DF00] =	vst v63  }
0x42: {  	s25 =	sadd.s32 $0x50, s24  }
0x43: {  	[tilespmem:s16], [sflag:$0x2] =	stream.indirect.gather [hbm4b:s4+s14], $0x80, s25, s14, $0xb8;
	[tilespmem:$0x1DF00] =	vst v63  }
0x44: {  	_ =	swait.ge [sflag:s17], $0x2800  }
0x45: {  	[sflag:s17] =	ssyncset.done $0x0  }
0x46: {  	s31 =	sadd.s32 $0x2780, s24;
	[sflag:s17] =	ssyncadd.s32 $0xFFFFD800  }
0x47: {  	[spmem:s2] =	stream.indirect.scatter.add.f32 [tilespmem:s15], [sflag:$0x3], $0x80, s31, s14, $0xb8;
	[tilespmem:$0x1DF00] =	vst v63  }
0x48: {  	_ =	swait.ge [sflag:s18], $0x2800  }
0x49: {  	[sflag:s18] =	ssyncset.done $0x0  }
0x4a: {  	s24 =	sadd.s32 $0x27D0, s24;
	[sflag:s18] =	ssyncadd.s32 $0xFFFFD800  }
0x4b: {  	[spmem:s2] =	stream.indirect.scatter.add.f32 [tilespmem:s16], [sflag:$0x4], $0x80, s24, s14, $0xb8;
	[tilespmem:$0x1DF00] =	vst v63  }
0x4c: {  	_ =	swait.ge [sflag:s19], $0x2800  }
0x4d: {  	[sflag:s19] =	ssyncset.done $0x0  }
0x4e: {  	[sflag:s19] =	ssyncadd.s32 $0xFFFFD800  }
0x4f: {  	_ =	swait.ge [sflag:s20], $0x2800  }
0x50: {  	[sflag:s20] =	ssyncset.done $0x0  }
0x51: {  	[sflag:s20] =	ssyncadd.s32 $0xFFFFD800  }
0x52: {  	[tilespmem:s15], [sflag:$0x1] =	stream.indirect.gather [hbm4b:s4+s14], $0x80, s21, s14, $0xb8;
	[tilespmem:$0x1DF00] =	vst v63  }
0x53: {  	_ =	swait.ge [sflag:s17], $0x2800  }
0x54: {  	[sflag:s17] =	ssyncset.done $0x0  }
0x55: {  	[sflag:s17] =	ssyncadd.s32 $0xFFFFD800  }
0x56: {  	[spmem:s2] =	stream.indirect.scatter.add.f32 [tilespmem:s15], [sflag:$0x5], $0x80, s22, s14, $0xb8;
	[tilespmem:$0x1DF00] =	vst v63  }
0x57: {  	_ =	swait.ge [sflag:s10], $0x2800  }
0x58: {  	s23 =	sadd.s32 $0x1, s23;
	[sflag:s10] =	ssyncset.done $0x0  }
0x59: {  	p0 =	sne.s32 s23, s9;
	[sflag:s10] =	ssyncadd.s32 $0xFFFFD800  }
.Ltmp1:
0x5a: {  	[bflag:$0x0] =	sbarrier.arrive $0xFFFF;
	(pc) =	sbr.rel @p0 .LBB2_1-.Ltmp1, $4  }
0x5b: {  	[hbm:s8], [sflag:s12] =	dma.local [spmem:s13], $0x2800  }
0x5c: {  	_ =	swait.ge [sflag:s10], $0x2800  }
0x5d: {  	[sflag:s10] =	ssyncset.done $0x0  }
0x5e: {  	[sflag:s10] =	ssyncadd.s32 $0xFFFFD800  }
0x5f: {  	_ =	sfence.sel $0x180000  }
0x60: {  	[bflag:$0x0] =	sbarrier.arrive $0xFFFF  }
0x61: {  	p0 =	sne.s32 s0, $0x0;
	_ =	strace $0x9000004D  }
0x62: {  	s0 =	sadd.s32 @!p0 $0x100000, s1;
	[bflag:$0x2] =	sbarrier.arrive $0xFFFF  }
0x63: {  	[sflag:s0] =	ssyncadd.tile.s32 @!p0 $0x1;
	_ =	shalt  }
.Lfunc_end2:
_tile_overlayer_lowered:
.L_overlay_start_2:
0x64: {  	(tag) =	ssettag $0x2  }
0x65: {  	s0 =	rddreg [dreg:$0x0];
	s2 =	stileid.u32  }
0x66: {  	s1 =	rddreg [dreg:$0x1];
	p0 =	sne.s32 s2, $0x0  }
0x67: {  	s3 =	rddreg [dreg:$0x2];
	[bflag:$0x3] =	sbarrier.arrive $0xFFFF;
	s2 =	simm.s32 @!p0 $0x1C05  }
0x68: {  	[timem:s3], [sflag:s2] =	dma.local @!p0 [hbm:s0], s1  }
0x69: {  	s0 =	simm.s32 @!p0 $0x5  }
0x6a: {  	_ =	swait.ge @!p0 [sflag:s0], s1  }
0x6b: {  	s1 =	ssub.s32 @!p0 $0x0, s1;
	[sflag:s0] =	ssyncset.done @!p0 $0x0  }
0x6c: {  	[sflag:s0] =	ssyncadd.s32 @!p0 s1  }
0x6d: {  	[bflag:$0x3] =	sbarrier.arrive $0xFFFF  }
0x6e: {  	_ =	shalt  }

// kernel: kernel.8.cloned.1.call-start
scs
__scs_entry_jumppad:
0x0: {  	(pc) =	sbr.rel $0x88, $3  }
0x1: {  	(tag) =	ssettag $0x0;
	lr =	simm.s32 $0x1  }
0x2: {  	[smem:$0x3F97] =	sst lr;
	_ =	strace $0xD0000000  }
0x3: {  	_ = 	snop  }
0x4: {  	_ = 	snop  }
0x5: {  	_ = 	snop  }
0x6: {  	_ = 	snop  }
0x7: {  	_ = 	snop  }
__scs_overlays_trampoline_lowered:
0x8: {  	[smem:$0x3FA6] =	sst s0  }
0x9: {  	[smem:$0x3FA7] =	sst s1  }
0xa: {  	[smem:$0x3FA8] =	sst s2  }
0xb: {  	[smem:$0x3FA9] =	sst s3  }
0xc: {  	[smem:$0x3FAA] =	sst s4  }
0xd: {  	[smem:$0x3FAB] =	sst s5  }
0xe: {  	[smem:$0x3FAC] =	sst s6  }
0xf: {  	[smem:$0x3FAD] =	sst s7  }
0x10: {  	[smem:$0x3FAE] =	sst s8  }
0x11: {  	[smem:$0x3FAF] =	sst s9;
	s0 =	simm.s32 @!p0 $0x0  }
0x12: {  	s1 =	sld [smem:$0x3F95];
	s0 =	simm.s32 @p0 $0x1  }
0x13: {  	[smem:$0x3FB0] =	sst s0;
	s0 =	simm.s32 @!p1 $0x0  }
0x14: {  	s2 =	sld [smem:$0x3F94];
	s0 =	simm.s32 @p1 $0x1  }
0x15: {  	[smem:$0x3FB1] =	sst s0;
	s0 =	simm.s32 @!p2 $0x0  }
0x16: {  	s3 =	sld [smem:$0x3FDB];
	s0 =	simm.s32 @p2 $0x1  }
0x17: {  	s4 =	simm.s32 $0x1BF5;
	[smem:$0x3FB3] =	sst s0  }
0x18: {  	s0 =	sld [smem:$0x3F96];
	_ =	swait.ge [sflag:s4], $0x0  }
0x19: {  	s7 =	sld [smem:$0x3F97]  }
0x1a: {  	s8 =	sadd.s32 $0xFFFFE003, lr  }
0x1b: {  	s9 =	sadd.s32 $0xFFFFFEF7, lr;
	s5 =	simm.s32 $0xFFFFFFFF;
	p2 =	slt.u32 s8, $0xFFFFF086  }
0x1c: {  	p1 =	slt.u32 s9, $0xF7A;
	s5 =	simm.s32 @!p2 $0x0  }
0x1d: {  	s5 =	simm.s32 @p1 $0x1;
	p0 =	seq.s32 s7, s2  }
0x1e: {  	s7 =	smul.u32 @!p0 $0xF7A, s2;
	p2 =	seq.s32 @!p0 s5, $0x0  }
0x1f: {  	s9 =	smul.u32 $0xF7A, s1;
	s8 =	simm.s32 @!p0 $0x1BF5;
	p2 =	por !p2, p0  }
0x20: {  	[sflag:s8] =	ssyncset.s32 @!p0 $0xFFFFF086;
	s6 =	sadd.s32 @!p0 s3, s7;
	s7 =	simm.s32 @!p0 $0x108  }
0x21: {  	s3 =	sadd.s32 s3, s9;
	s6 =	sadd.s32 @!p0 $0x88, s6;
	s7 =	simm.s32 @p2 $0x1082  }
0x22: {  	[simem:s7], [sflag:s8] =	dma.local @!p0 [hbm:s6], $0xF7A  }
0x23: {  	s9 =	sor.u32 $0xD0000000, s2;
	s6 =	simm.s32 $0x108;
	_ =	swait.ge @!p0 [sflag:s8], $0x0  }
0x24: {  	s3 =	sadd.s32 $0x88, s3;
	s6 =	simm.s32 @!p1 $0x1082;
	[sflag:s4] =	ssyncset.s32 $0xFFFFF086  }
0x25: {  	[simem:s6], [sflag:s4] =	dma.local [hbm:s3], $0xF7A  }
0x26: {  	[smem:$0x3F97] =	sst s1;
	(tag) =	ssettag s2;
	_ =	strace s9  }
0x27: {  	s1 =	sld [smem:$0x3FA7]  }
0x28: {  	s2 =	sld [smem:$0x3FA8]  }
0x29: {  	s4 =	sld [smem:$0x3FAA]  }
0x2a: {  	p0 =	seq.s32 s5, $0x0;
	s5 =	sld [smem:$0x3FAB]  }
0x2b: {  	s6 =	sld [smem:$0x3FAC]  }
0x2c: {  	s7 =	sld [smem:$0x3FAD]  }
0x2d: {  	s3 =	simm.s32 $0x108;
	s8 =	sld [smem:$0x3FAE]  }
0x2e: {  	s3 =	simm.s32 @!p0 $0x1082;
	s9 =	sld [smem:$0x3FAF]  }
0x2f: {  	lr =	sadd.s32 s0, s3;
	s0 =	sld [smem:$0x3FA6]  }
0x30: {  	s3 =	sld [smem:$0x3FA9]  }
0x31: {  	[smem:$0x3FB2] =	sst s10  }
0x32: {  	s10 =	sld [smem:$0x3FB0];
	_ =	sdelay $0x3  }
0x33: {  	p0 =	seq.s32 s10, $0x1;
	s10 =	sld [smem:$0x3FB2];
	_ =	sdelay $0x3  }
0x34: {  	[smem:$0x3FB2] =	sst s10  }
0x35: {  	s10 =	sld [smem:$0x3FB1];
	_ =	sdelay $0x3  }
0x36: {  	p1 =	seq.s32 s10, $0x1;
	s10 =	sld [smem:$0x3FB2];
	_ =	sdelay $0x3  }
0x37: {  	[smem:$0x3FB2] =	sst s10  }
0x38: {  	s10 =	sld [smem:$0x3FB3]  }
0x39: {  	_ = 	snop;
	(pc) =	sbr.ind lr, $3  }
0x3a: {  	_ = 	snop  }
0x3b: {  	_ = 	snop  }
0x3c: {  	p2 =	seq.s32 s10, $0x1;
	s10 =	sld [smem:$0x3FB2]  }
0x3d: {  	_ =	shalt  }
0x3e: {  	_ =	shalt  }
0x3f: {  	_ =	shalt  }
0x40: {  	_ =	shalt  }
0x41: {  	_ =	shalt  }
0x42: {  	_ =	shalt  }
0x43: {  	_ =	shalt  }
0x44: {  	_ =	shalt  }
0x45: {  	_ =	shalt  }
0x46: {  	_ =	shalt  }
0x47: {  	_ =	shalt  }
0x48: {  	_ =	shalt  }
0x49: {  	_ =	shalt  }
0x4a: {  	_ =	shalt  }
0x4b: {  	_ =	shalt  }
0x4c: {  	_ =	shalt  }
0x4d: {  	_ =	shalt  }
0x4e: {  	_ =	shalt  }
0x4f: {  	_ =	shalt  }
0x50: {  	_ =	shalt  }
0x51: {  	_ =	shalt  }
0x52: {  	_ =	shalt  }
0x53: {  	_ =	shalt  }
0x54: {  	_ =	shalt  }
0x55: {  	_ =	shalt  }
0x56: {  	_ =	shalt  }
0x57: {  	_ =	shalt  }
0x58: {  	_ =	shalt  }
0x59: {  	_ =	shalt  }
0x5a: {  	_ =	shalt  }
0x5b: {  	_ =	shalt  }
0x5c: {  	_ =	shalt  }
0x5d: {  	_ =	shalt  }
0x5e: {  	_ =	shalt  }
0x5f: {  	_ =	shalt  }
0x60: {  	_ =	shalt  }
0x61: {  	_ =	shalt  }
0x62: {  	_ =	shalt  }
0x63: {  	_ =	shalt  }
0x64: {  	_ =	shalt  }
0x65: {  	_ =	shalt  }
0x66: {  	_ =	shalt  }
0x67: {  	_ =	shalt  }
0x68: {  	_ =	shalt  }
0x69: {  	_ =	shalt  }
0x6a: {  	_ =	shalt  }
0x6b: {  	_ =	shalt  }
0x6c: {  	_ =	shalt  }
0x6d: {  	_ =	shalt  }
0x6e: {  	_ =	shalt  }
0x6f: {  	_ =	shalt  }
0x70: {  	_ =	shalt  }
0x71: {  	_ =	shalt  }
0x72: {  	_ =	shalt  }
0x73: {  	_ =	shalt  }
0x74: {  	_ =	shalt  }
0x75: {  	_ =	shalt  }
0x76: {  	_ =	shalt  }
0x77: {  	_ =	shalt  }
0x78: {  	_ =	shalt  }
0x79: {  	_ =	shalt  }
0x7a: {  	_ =	shalt  }
0x7b: {  	_ =	shalt  }
0x7c: {  	_ =	shalt  }
0x7d: {  	_ =	shalt  }
0x7e: {  	_ =	shalt  }
0x7f: {  	_ =	shalt  }
0x80: {  	_ =	shalt  }
0x81: {  	_ =	shalt  }
0x82: {  	_ =	shalt  }
0x83: {  	_ =	shalt  }
0x84: {  	_ =	shalt  }
0x85: {  	_ =	shalt  }
0x86: {  	_ =	shalt  }
0x87: {  	_ =	shalt  }
.Lfunc_end0:
.L_simem_size_0:
called_computation_lowered:
.L_overlay_start_0:
0x88: {  	s2 =	sld [smem:$0x3FD9]  }
0x89: {  	s3 =	sld [smem:$0x3FFE];
	_ =	sdelay $0x1  }
0x8a: {  	s1 =	srdreg.scid  }
0x8b: {  	s0 =	sand.u32 $0x1, s1  }
0x8c: {  	s17 =	sshll.u32 s0, $0xA;
	s2 =	sadd.s32 s3, s2  }
0x8d: {  	s2 =	sadd.s32 s2, s17  }
0x8e: {  	[smem:$0x3FBE] =	sst s2  }
0x8f: {  	_ = 	snop  }
0x90: {  	s2 =	sld [smem:$0x3FD0];
	(tm) =	ssettm $0x1  }
0x91: {  	s18 =	sld [smem:$0x3FFB];
	_ =	sdelay $0x3  }
0x92: {  	_ =	strace s18  }
0x93: {  	s3 =	sld [smem:$0x3FFC];
	_ =	sdelay $0x3  }
0x94: {  	_ =	strace s3  }
0x95: {  	s3 =	sld [smem:$0x3FFD];
	_ =	sdelay $0x3  }
0x96: {  	_ =	strace s3  }
0x97: {  	_ =	strace $0x8FFFFFFF  }
0x98: {  	s19 =	sld [smem:$0x3FDB];
	_ =	sdelay $0x1  }
0x99: {  	s4 =	simm.s32 $_scs_section_size  }
0x9a: {  	s5 =	simm.s32 $_size__tile_overlayer_lowered;
	s6 =	simm.s32 $_tile_overlayer_lowered  }
0x9b: {  	s22 =	simm.s32 $0x1BFF;
	s21 =	sshll.u32 s6, $0x1;
	s3 =	sadd.s32 s4, s19  }
0x9c: {  	s7 =	simm.s32 $0x0;
	s20 =	sshll.u32 s5, $0x1;
	s5 =	sadd.s32 s21, s3  }
0x9d: {  	[timem:s7], [sflag:s22] =	dma.local [hbm:s5], s20  }
0x9e: {  	_ =	swait.ge [sflag:s22], s20  }
0x9f: {  	s4 =	ssub.s32 $0x0, s20;
	[sflag:s22] =	ssyncset.done $0x0  }
0xa0: {  	[sflag:s22] =	ssyncadd.s32 s4;
	_ =	sdelay $0x1  }
0xa1: {  	s23 =	simm.s32 $0x1B8B  }
0xa2: {  	_ =	swait.ge [sflag:s23], $0x1  }
0xa3: {  	[sflag:s23] =	ssyncset.done $0x0  }
0xa4: {  	s25 =	simm.s32 $0x1B8E;
	s24 =	sld [smem:$0x3FFE];
	[sflag:s23] =	ssyncadd.s32 $0xFFFFFFFF  }
0xa5: {  	s26 =	simm.s32 $execute0_lowered;
	[smem:$0x3FD2] =	sst s25  }
0xa6: {  	s5 =	sshll.u32 s26, $0x1;
	_ =	strace $0x80000046;
	[dreg:$0x1] =	wrdreg $0xFFFFFFFF  }
0xa7: {  	s28 =	simm.s32 $_size_execute0_lowered;
	s3 =	sadd.s32 s3, s5;
	[dreg:$0x0] =	wrdreg $0x0  }
0xa8: {  	s5 =	sshll.u32 s28, $0x1;
	[dreg:$0x2] =	wrdreg s3  }
0xa9: {  	[dreg:$0x3] =	wrdreg s5  }
0xaa: {  	[dreg:$0x4] =	wrdreg $0xC0  }
0xab: {  	_ =	task [dreg:s7], $0x5FFFF  }
0xac: {  	[dreg:$0x1] =	wrdreg $0xFFFFFFFF  }
0xad: {  	[dreg:$0x0] =	wrdreg $0x60  }
0xae: {  	[dreg:$0x2] =	wrdreg s24  }
0xaf: {  	[dreg:$0x3] =	wrdreg s2  }
0xb0: {  	[dreg:$0x4] =	wrdreg $0x4F800  }
0xb1: {  	[dreg:$0x5] =	wrdreg $0x9  }
0xb2: {  	_ =	task.clear_ibuf [dreg:s7], $0x6FFFF;
	_ =	strace $0x90000046  }
0xb3: {  	s29 =	simm.s32 $0x9;
	_ =	strace $0x80000048  }
0xb4: {  	_ =	swait.ge [sflag:s29], $0x1  }
0xb5: {  	[sflag:s29] =	ssyncadd.s32 $0xFFFFFFFF  }
0xb6: {  	_ =	strace $0x90000048  }
0xb7: {  	_ =	sfence  }
0xb8: {  	s30 =	sld [smem:$0x0];
	_ =	sdelay $0x2  }
0xb9: {  	s31 =	sshll.u32 s1, $0xD;
	s1 =	sshrl.u32 s1, $0x2  }
0xba: {  	s3 =	sand.u32 $0x4000, s31;
	s1 =	sadd.s32 s1, s30  }
0xbb: {  	s0 =	sor.u32 s3, s0;
	s1 =	sshll.u32 s1, $0x11  }
0xbc: {  	s0 =	sor.u32 s1, s0  }
0xbd: {  	s0 =	sadd.s32 $0x8F2B, s0  }
0xbe: {  	[sflag:s0] =	ssyncadd.remote.s32 $0x1  }
0xbf: {  	_ =	sfence.sel $0xFFFF  }
0xc0: {  	[dreg:$0x0] =	wrdreg $0xFFFFFFFF;
	(pc) =	sbr.abs _section_cstart, $3  }
0xc1: {  	[dreg:$0x1] =	wrdreg $0xFFFFFFFF  }
0xc2: {  	_ =	task.clear_ibuf [dreg:s7], $0x2FFFF;
	_ =	strace $0x9FFFFFFF  }
0xc3: {  	(tm) =	ssettm $0x7FFFFFFF  }
tec
execute0_lowered:
.L_overlay_start_1:
0x0: {  	(tag) =	ssettag $0x1  }
0x1: {  	s6 =	rddreg [dreg:$0x0]  }
0x2: {  	s1 =	srdreg.scid;
	s2 =	rddreg [dreg:$0x1]  }
0x3: {  	s0 =	stileid.u32;
	s3 =	rddreg [dreg:$0x2]  }
0x4: {  	s4 =	simm.s32 $0x0;
	s13 =	simm.s32 $0x50;
	s14 =	simm.s32 $0x1  }
0x5: {  	s15 =	simm.s32 $0x2;
	s16 =	simm.s32 $0x3;
	s17 =	simm.s32 $0x4  }
0x6: {  	s18 =	simm.s32 $0x5;
	s19 =	simm.s32 $0x0;
	s5 =	sand.u32 $0x1, s1  }
0x7: {  	s28 =	sshll.u32 s0, $0x1;
	s9 =	smul.u32 $0x14000, s0;
	[smem:$0x7FF] =	sst s4  }
0x8: {  	s10 =	smul.u32 $0x50000, s0;
	s11 =	sshll.u32 s0, $0x6;
	s1 =	sor.u32 s5, s28  }
0x9: {  	s8 =	smul.u32 $0x140000, s5;
	s29 =	ssub.s32 $0x2, s5;
	s5 =	sadd.s32 $0x16200, s6  }
0xa: {  	s11 =	sor.u32 $0x1C06, s11;
	s7 =	smul.u32 $0x4E2, s1;
	s1 =	rddreg [dreg:$0x3]  }
0xb: {  	_ =	strace $0x80000047;
	s30 =	sshrl.u32 s29, $0x1;
	s31 =	sshrl.u32 s10, $0x2  }
0xc: {  	s10 =	simm.s32 $0x6;
	s8 =	sadd.s32 s9, s8;
	s9 =	ssub.s32 s29, s30  }
0xd: {  	s12 =	sadd.s32 s31, s3;
	s7 =	sadd.s32 s7, s6;
	s8 =	sshrl.u32 s8, $0x3  }
0xe: {  	s12 =	sshrl.u32 s12, $0x3;
	s8 =	sadd.s32 s8, s6;
	s6 =	sadd.s32 $0xC400, s7  }
0xf: {  	s7 =	sadd.s32 $0x18A00, s8;
	s8 =	smax.u32 s9, $0x1;
	s9 =	simm.s32 $0x2780  }
.LBB2_1:
0x10: {  	[tilespmem:s9], [sflag:$0x6] =	stream.linear.gather [hbm4b:s2+s4], $0x2800, $0x38;
	[tilespmem:$0x18F80] =	vst v63  }
0x11: {  	_ =	swait.ge [sflag:s10], $0x2800  }
0x12: {  	[sflag:s10] =	ssyncset.done $0x0  }
0x13: {  	[sflag:s10] =	ssyncadd.s32 $0xFFFFD800  }
0x14: {  	[tilespmem:s4], [sflag:$0x6] =	stream.linear.gather [hbm4b:s6+s4], $0x2710, $0x38;
	[tilespmem:$0x18F80] =	vst v63  }
0x15: {  	_ =	swait.ge [sflag:s10], $0x2710  }
0x16: {  	[sflag:s10] =	ssyncset.done $0x0  }
0x17: {  	[sflag:s10] =	ssyncadd.s32 $0xFFFFD8F0  }
0x18: {  	[spmem:s12], [sflag:s11] =	dma.local [hbm:s5], $0x2800  }
0x19: {  	_ =	swait.ge [sflag:s10], $0x2800  }
0x1a: {  	[sflag:s10] =	ssyncset.done $0x0  }
0x1b: {  	[sflag:s10] =	ssyncadd.s32 $0xFFFFD800  }
0x1c: {  	s20 =	simm.s32 $0x0;
	[bflag:$0x0] =	sbarrier.arrive $0xFFFF  }
0x1d: {  	[spmem:s3] =	stream.indirect.scatter.add.f32 [tilespmem:s9], [sflag:$0x1], $0x80, s20, s13, $0xb8;
	[tilespmem:$0x18F80] =	vst v63  }
0x1e: {  	s28 =	simm.s32 $0x50  }
0x1f: {  	[spmem:s3] =	stream.indirect.scatter.add.f32 [tilespmem:s9], [sflag:$0x2], $0x80, s28, s13, $0xb8;
	[tilespmem:$0x18F80] =	vst v63  }
0x20: {  	s29 =	simm.s32 $0xA0  }
0x21: {  	[spmem:s3] =	stream.indirect.scatter.add.f32 [tilespmem:s9], [sflag:$0x3], $0x80, s29, s13, $0xb8;
	[tilespmem:$0x18F80] =	vst v63  }
0x22: {  	s30 =	simm.s32 $0xF0  }
0x23: {  	[spmem:s3] =	stream.indirect.scatter.add.f32 [tilespmem:s9], [sflag:$0x4], $0x80, s30, s13, $0xb8;
	[tilespmem:$0x18F80] =	vst v63  }
0x24: {  	s31 =	simm.s32 $0x140  }
0x25: {  	[spmem:s3] =	stream.indirect.scatter.add.f32 [tilespmem:s9], [sflag:$0x5], $0x80, s31, s13, $0xb8;
	[tilespmem:$0x18F80] =	vst v63  }
0x26: {  	_ =	swait.ge [sflag:s14], $0x2800  }
0x27: {  	[sflag:s14] =	ssyncset.done $0x0  }
0x28: {  	[sflag:s14] =	ssyncadd.s32 $0xFFFFD800  }
0x29: {  	_ =	swait.ge [sflag:s15], $0x2800  }
0x2a: {  	[sflag:s15] =	ssyncset.done $0x0  }
0x2b: {  	[sflag:s15] =	ssyncadd.s32 $0xFFFFD800  }
0x2c: {  	_ =	swait.ge [sflag:s16], $0x2800  }
0x2d: {  	[sflag:s16] =	ssyncset.done $0x0  }
0x2e: {  	[sflag:s16] =	ssyncadd.s32 $0xFFFFD800  }
0x2f: {  	_ =	swait.ge [sflag:s17], $0x2800  }
0x30: {  	[sflag:s17] =	ssyncset.done $0x0  }
0x31: {  	[sflag:s17] =	ssyncadd.s32 $0xFFFFD800  }
0x32: {  	_ =	swait.ge [sflag:s18], $0x2800  }
0x33: {  	s21 =	simm.s32 $0xC80;
	s20 =	simm.s32 $0x640;
	[sflag:s18] =	ssyncset.done $0x0  }
.LBB2_2:
0x34: {  	s22 =	sshra.s32 s20, $0x2  }
0x35: {  	[sflag:s18] =	ssyncadd.s32 $0xFFFFD800;
	s20 =	smov.u32 s21;
	s23 =	sadd.s32 $0x640, s21  }
0x36: {  	[spmem:s3] =	stream.indirect.scatter.add.f32 [tilespmem:s9], [sflag:$0x1], $0x80, s22, s13, $0xb8;
	[tilespmem:$0x18F80] =	vst v63  }
0x37: {  	p0 =	sne.s32 s21, $0x9600;
	s21 =	sadd.s32 $0x50, s22  }
0x38: {  	[spmem:s3] =	stream.indirect.scatter.add.f32 [tilespmem:s9], [sflag:$0x2], $0x80, s21, s13, $0xb8;
	[tilespmem:$0x18F80] =	vst v63  }
0x39: {  	s21 =	sadd.s32 $0xA0, s22  }
0x3a: {  	[spmem:s3] =	stream.indirect.scatter.add.f32 [tilespmem:s9], [sflag:$0x3], $0x80, s21, s13, $0xb8;
	[tilespmem:$0x18F80] =	vst v63  }
0x3b: {  	s21 =	sadd.s32 $0xF0, s22  }
0x3c: {  	[spmem:s3] =	stream.indirect.scatter.add.f32 [tilespmem:s9], [sflag:$0x4], $0x80, s21, s13, $0xb8;
	[tilespmem:$0x18F80] =	vst v63  }
0x3d: {  	s21 =	sadd.s32 $0x140, s22  }
0x3e: {  	[spmem:s3] =	stream.indirect.scatter.add.f32 [tilespmem:s9], [sflag:$0x5], $0x80, s21, s13, $0xb8;
	[tilespmem:$0x18F80] =	vst v63  }
0x3f: {  	_ =	swait.ge [sflag:s14], $0x2800  }
0x40: {  	[sflag:s14] =	ssyncset.done $0x0  }
0x41: {  	[sflag:s14] =	ssyncadd.s32 $0xFFFFD800  }
0x42: {  	_ =	swait.ge [sflag:s15], $0x2800  }
0x43: {  	[sflag:s15] =	ssyncset.done $0x0  }
0x44: {  	[sflag:s15] =	ssyncadd.s32 $0xFFFFD800  }
0x45: {  	_ =	swait.ge [sflag:s16], $0x2800  }
0x46: {  	[sflag:s16] =	ssyncset.done $0x0  }
0x47: {  	[sflag:s16] =	ssyncadd.s32 $0xFFFFD800  }
.Ltmp0:
0x48: {  	_ =	swait.ge [sflag:s17], $0x2800;
	(pc) =	sbr.rel @p0 .LBB2_2-.Ltmp0, $4  }
0x49: {  	[sflag:s17] =	ssyncset.done $0x0  }
0x4a: {  	[sflag:s17] =	ssyncadd.s32 $0xFFFFD800  }
0x4b: {  	_ =	swait.ge [sflag:s18], $0x2800  }
0x4c: {  	s21 =	smov.u32 s23;
	[sflag:s18] =	ssyncset.done $0x0  }
0x4d: {  	s20 =	sshra.s32 s20, $0x2;
	[sflag:s18] =	ssyncadd.s32 $0xFFFFD800  }
0x4e: {  	[spmem:s3] =	stream.indirect.scatter.add.f32 [tilespmem:s9], [sflag:$0x1], $0x80, s20, s13, $0xb8;
	[tilespmem:$0x18F80] =	vst v63  }
0x4f: {  	s21 =	sadd.s32 $0x50, s20  }
0x50: {  	[spmem:s3] =	stream.indirect.scatter.add.f32 [tilespmem:s9], [sflag:$0x2], $0x80, s21, s13, $0xb8;
	[tilespmem:$0x18F80] =	vst v63  }
0x51: {  	s30 =	sadd.s32 $0xA0, s20  }
0x52: {  	[spmem:s3] =	stream.indirect.scatter.add.f32 [tilespmem:s9], [sflag:$0x3], $0x80, s30, s13, $0xb8;
	[tilespmem:$0x18F80] =	vst v63  }
0x53: {  	s31 =	sadd.s32 $0xF0, s20  }
0x54: {  	[spmem:s3] =	stream.indirect.scatter.add.f32 [tilespmem:s9], [sflag:$0x4], $0x80, s31, s13, $0xb8;
	[tilespmem:$0x18F80] =	vst v63  }
0x55: {  	s20 =	sadd.s32 $0x140, s20  }
0x56: {  	[spmem:s3] =	stream.indirect.scatter.add.f32 [tilespmem:s9], [sflag:$0x5], $0x80, s20, s13, $0xb8;
	[tilespmem:$0x18F80] =	vst v63  }
0x57: {  	_ =	swait.ge [sflag:s14], $0x2800  }
0x58: {  	[sflag:s14] =	ssyncset.done $0x0  }
0x59: {  	[sflag:s14] =	ssyncadd.s32 $0xFFFFD800  }
0x5a: {  	_ =	swait.ge [sflag:s15], $0x2800  }
0x5b: {  	[sflag:s15] =	ssyncset.done $0x0  }
0x5c: {  	[sflag:s15] =	ssyncadd.s32 $0xFFFFD800  }
0x5d: {  	_ =	swait.ge [sflag:s16], $0x2800  }
0x5e: {  	[sflag:s16] =	ssyncset.done $0x0  }
0x5f: {  	[sflag:s16] =	ssyncadd.s32 $0xFFFFD800  }
0x60: {  	_ =	swait.ge [sflag:s17], $0x2800  }
0x61: {  	[sflag:s17] =	ssyncset.done $0x0  }
0x62: {  	[sflag:s17] =	ssyncadd.s32 $0xFFFFD800  }
0x63: {  	_ =	swait.ge [sflag:s18], $0x2800  }
0x64: {  	s19 =	sadd.s32 $0x1, s19;
	[sflag:s18] =	ssyncset.done $0x0  }
0x65: {  	p0 =	sne.s32 s19, s8;
	[sflag:s18] =	ssyncadd.s32 $0xFFFFD800  }
.Ltmp1:
0x66: {  	[bflag:$0x0] =	sbarrier.arrive $0xFFFF;
	(pc) =	sbr.rel @p0 .LBB2_1-.Ltmp1, $4  }
0x67: {  	[hbm:s7], [sflag:s11] =	dma.local [spmem:s12], $0x2800  }
0x68: {  	_ =	swait.ge [sflag:s10], $0x2800  }
0x69: {  	[sflag:s10] =	ssyncset.done $0x0  }
0x6a: {  	[sflag:s10] =	ssyncadd.s32 $0xFFFFD800  }
0x6b: {  	_ =	sfence.sel $0x180000  }
0x6c: {  	[bflag:$0x0] =	sbarrier.arrive $0xFFFF  }
0x6d: {  	p0 =	sne.s32 s0, $0x0;
	_ =	strace $0x90000047  }
0x6e: {  	s0 =	sadd.s32 @!p0 $0x100000, s1;
	[bflag:$0x2] =	sbarrier.arrive $0xFFFF  }
0x6f: {  	[sflag:s0] =	ssyncadd.tile.s32 @!p0 $0x1;
	_ =	shalt  }
.Lfunc_end2:
_tile_overlayer_lowered:
.L_overlay_start_2:
0x70: {  	(tag) =	ssettag $0x2  }
0x71: {  	s0 =	rddreg [dreg:$0x0];
	s2 =	stileid.u32  }
0x72: {  	s1 =	rddreg [dreg:$0x1];
	p0 =	sne.s32 s2, $0x0  }
0x73: {  	s3 =	rddreg [dreg:$0x2];
	[bflag:$0x3] =	sbarrier.arrive $0xFFFF;
	s2 =	simm.s32 @!p0 $0x1C06  }
0x74: {  	[timem:s3], [sflag:s2] =	dma.local @!p0 [hbm:s0], s1  }
0x75: {  	s0 =	simm.s32 @!p0 $0x6  }
0x76: {  	_ =	swait.ge @!p0 [sflag:s0], s1  }
0x77: {  	s1 =	ssub.s32 @!p0 $0x0, s1;
	[sflag:s0] =	ssyncset.done @!p0 $0x0  }
0x78: {  	[sflag:s0] =	ssyncadd.s32 @!p0 s1  }
0x79: {  	[bflag:$0x3] =	sbarrier.arrive $0xFFFF  }
0x7a: {  	_ =	shalt  }

</sc_bundles>
